<compile_context>
chip_gen: v7x
topology: tpu7x:2x2x1
jax: 0.10.2.dev20260603
libtpu: 0.0.44.dev20260713+nightly
codegen_flags: <defaults>
</compile_context>

<pallas_src>
import functools

import jax
import jax.numpy as jnp
from jax import lax
from jax.experimental import pallas as pl
from jax.experimental.pallas import tpu as pltpu
from jax.experimental.pallas import tpu_sc as plsc

N = 10000
NPAD = 10240
D = 128
E = 320000
CHUNK = 128
EROWS = 2560
EPAD = EROWS * CHUNK
ROWS_PER_TILE = EROWS // 32
NC, NS = 2, 16
STRIPE = NPAD // NS

_mesh = plsc.VectorSubcoreMesh(core_axis_name="c", subcore_axis_name="s")


@functools.partial(
    pl.kernel,
    out_type=jax.ShapeDtypeStruct((NC * NPAD,), jnp.float32),
    mesh=_mesh,
    scratch_types=[
        pltpu.VMEM((ROWS_PER_TILE, CHUNK), jnp.int32),
        pltpu.VMEM((CHUNK,), jnp.float32),
        pltpu.VMEM_SHARED((NPAD,), jnp.float32),
        pltpu.SemaphoreType.DMA,
    ],
)
def _sc_degree(dst2d, zdeg, degp, idx_v, ones_v, acc, dsem):
    c = lax.axis_index("c")
    s = lax.axis_index("s")
    wid = s * NC + c

    @pl.when(s == 0)
    def _():
        pltpu.sync_copy(zdeg, acc)

    for k in range(CHUNK // 16):
        ones_v[pl.ds(k * 16, 16)] = jnp.ones((16,), jnp.float32)
    pltpu.sync_copy(dst2d.at[pl.ds(wid * ROWS_PER_TILE, ROWS_PER_TILE)], idx_v)
    plsc.subcore_barrier()

    def fire(j, carry):
        pltpu.async_copy(ones_v, acc.at[idx_v.at[j]], dsem, add=True)
        return carry

    lax.fori_loop(0, ROWS_PER_TILE, fire, 0)

    def drain(j, carry):
        pltpu.make_async_copy(ones_v, acc.at[idx_v.at[0]], dsem).wait()
        return carry

    lax.fori_loop(0, ROWS_PER_TILE, drain, 0)
    plsc.subcore_barrier()
    pltpu.sync_copy(acc.at[pl.ds(s * STRIPE, STRIPE)],
                    degp.at[pl.ds(c * NPAD + s * STRIPE, STRIPE)])


def _tc_xw_body(x_ref, w_ref, d0_ref, d1_ref, y_ref, dinv_ref):
    deg = d0_ref[...] + d1_ref[...] + 1.0
    dinv = lax.rsqrt(deg)
    xw = jnp.dot(x_ref[...], w_ref[...], preferred_element_type=jnp.float32)
    y_ref[...] = xw * dinv
    dinv_ref[...] = dinv


IDXB = 40
NBLK = ROWS_PER_TILE // IDXB


@functools.partial(
    pl.kernel,
    out_type=jax.ShapeDtypeStruct((NC * NPAD, D), jnp.float32),
    mesh=_mesh,
    scratch_types=[
        pltpu.VMEM((IDXB, CHUNK), jnp.int32),
        pltpu.VMEM((IDXB, CHUNK), jnp.int32),
        pltpu.VMEM((CHUNK, D), jnp.float32),
        pltpu.VMEM((CHUNK, D), jnp.float32),
        pltpu.VMEM_SHARED((NPAD, D), jnp.float32),
        pltpu.SemaphoreType.DMA,
        pltpu.SemaphoreType.DMA,
    ],
)
def _sc_messages(y_hbm, src2d, dst2d, zbig, out_hbm,
                 sidx_v, didx_v, rows_a, rows_b, acc, gs0, gs1):
    c = lax.axis_index("c")
    s = lax.axis_index("s")
    wid = s * NC + c

    pltpu.sync_copy(zbig, acc.at[pl.ds(s * STRIPE, STRIPE)])
    plsc.subcore_barrier()

    for blk in range(NBLK):
        base = wid * ROWS_PER_TILE + blk * IDXB
        pltpu.sync_copy(src2d.at[pl.ds(base, IDXB)], sidx_v)
        pltpu.sync_copy(dst2d.at[pl.ds(base, IDXB)], didx_v)
        pltpu.async_copy(y_hbm.at[sidx_v.at[0]], rows_a, gs0)
        pltpu.async_copy(y_hbm.at[sidx_v.at[1]], rows_b, gs1)

        def body(i, carry):
            j0 = 2 * i
            pltpu.make_async_copy(y_hbm.at[sidx_v.at[j0]], rows_a, gs0).wait()
            pltpu.sync_copy(rows_a, acc.at[didx_v.at[j0]], add=True)
            pltpu.async_copy(y_hbm.at[sidx_v.at[j0 + 2]], rows_a, gs0)
            pltpu.make_async_copy(y_hbm.at[sidx_v.at[j0 + 1]], rows_b,
                                  gs1).wait()
            pltpu.sync_copy(rows_b, acc.at[didx_v.at[j0 + 1]], add=True)
            pltpu.async_copy(y_hbm.at[sidx_v.at[j0 + 3]], rows_b, gs1)
            return carry

        lax.fori_loop(0, IDXB // 2 - 1, body, 0)
        j0 = IDXB - 2
        pltpu.make_async_copy(y_hbm.at[sidx_v.at[j0]], rows_a, gs0).wait()
        pltpu.sync_copy(rows_a, acc.at[didx_v.at[j0]], add=True)
        pltpu.make_async_copy(y_hbm.at[sidx_v.at[j0 + 1]], rows_b, gs1).wait()
        pltpu.sync_copy(rows_b, acc.at[didx_v.at[j0 + 1]], add=True)

    plsc.subcore_barrier()
    pltpu.sync_copy(acc.at[pl.ds(s * STRIPE, STRIPE)],
                    out_hbm.at[pl.ds(c * NPAD + s * STRIPE, STRIPE)])


def _tc_out_body(p_ref, y_ref, dinv_ref, b_ref, a_ref, o_ref):
    pp = p_ref[...]
    t = (pp[0] + pp[1] + y_ref[...]) * dinv_ref[...] + b_ref[...]
    a = a_ref[0, 0]
    o_ref[...] = jnp.where(t >= 0, t, a * t)


def kernel(x, edge_index, W, b, prelu_a):
    src = edge_index[0]
    dst = edge_index[1]
    npad = EPAD - E
    fill = jnp.arange(npad, dtype=jnp.int32)
    src_p = jnp.concatenate([src, fill % N]).reshape(EROWS, CHUNK)
    dst_p = jnp.concatenate([dst, N + (fill % (NPAD - N))]).reshape(EROWS,
                                                                    CHUNK)

    zdeg = jnp.zeros((NPAD,), jnp.float32)
    zbig = jnp.zeros((STRIPE, D), jnp.float32)

    degp = _sc_degree(dst_p, zdeg)
    d0 = degp[:N].reshape(N, 1)
    d1 = degp[NPAD:NPAD + N].reshape(N, 1)

    RB = 1000
    grid = N // RB
    y, dinv = pl.pallas_call(
        _tc_xw_body,
        grid=(grid,),
        in_specs=[
            pl.BlockSpec((RB, D), lambda i: (i, 0)),
            pl.BlockSpec((D, D), lambda i: (0, 0)),
            pl.BlockSpec((RB, 1), lambda i: (i, 0)),
            pl.BlockSpec((RB, 1), lambda i: (i, 0)),
        ],
        out_specs=[
            pl.BlockSpec((RB, D), lambda i: (i, 0)),
            pl.BlockSpec((RB, 1), lambda i: (i, 0)),
        ],
        out_shape=[
            jax.ShapeDtypeStruct((N, D), jnp.float32),
            jax.ShapeDtypeStruct((N, 1), jnp.float32),
        ],
    )(x, W, d0, d1)

    p = _sc_messages(y, src_p, dst_p, zbig).reshape(NC, NPAD, D)

    out = pl.pallas_call(
        _tc_out_body,
        grid=(grid,),
        in_specs=[
            pl.BlockSpec((NC, RB, D), lambda i: (0, i, 0)),
            pl.BlockSpec((RB, D), lambda i: (i, 0)),
            pl.BlockSpec((RB, 1), lambda i: (i, 0)),
            pl.BlockSpec((1, D), lambda i: (0, 0)),
            pl.BlockSpec((1, 1), lambda i: (0, 0)),
        ],
        out_specs=pl.BlockSpec((RB, D), lambda i: (i, 0)),
        out_shape=jax.ShapeDtypeStruct((N, D), jnp.float32),
    )(p, y, dinv, b.reshape(1, D), prelu_a.reshape(1, 1))
    return out

# --- scband reference (transcript-rebuilt; emitter-appended) ---
"""Pipeline reference for scband-gcn-9491877724923 (READ-ONLY COPY).

The authoritative reference and input builder live on the scoring server;
editing this copy changes nothing except your own understanding.
"""

import jax, jax.numpy as jnp
import numpy as np

N = 10000
E = 320000
D_IN = 128
D_OUT = 128


def setup_inputs(seed: int = 0) -> dict:
    key = jax.random.key(seed)
    k1, k2, k3 = jax.random.split(key, 3)
    x = jax.random.normal(k1, (N, D_IN), dtype=jnp.float32)
    edge_index = jax.random.randint(k2, (2, E), 0, N, dtype=jnp.int32)
    # GCNConv learned params: weight [D_IN, D_OUT], bias [D_OUT]; PReLU single param
    W = jax.random.normal(k3, (D_IN, D_OUT), dtype=jnp.float32) * (1.0 / np.sqrt(D_IN))
    b = jnp.zeros((D_OUT,), dtype=jnp.float32)
    prelu_a = jnp.asarray(0.25, dtype=jnp.float32)
    return {"x": x, "edge_index": edge_index, "W": W, "b": b, "prelu_a": prelu_a}


def reference(x, edge_index, W, b, prelu_a):
    n = x.shape[0]
    src = edge_index[0]
    dst = edge_index[1]
    # add self-loops (PyG GCNConv default add_self_loops=True)
    loop = jnp.arange(n, dtype=src.dtype)
    src_full = jnp.concatenate([src, loop])
    dst_full = jnp.concatenate([dst, loop])
    w = jnp.ones(src_full.shape[0], dtype=x.dtype)  # edge_weight=None -> ones
    # symmetric normalization D^{-1/2} (A+I) D^{-1/2}
    deg = jnp.zeros((n,), dtype=x.dtype).at[dst_full].add(w)
    dinv = jnp.where(deg > 0, jax.lax.rsqrt(deg), 0.0)
    norm = dinv[src_full] * w * dinv[dst_full]
    xw = x @ W
    msgs = jnp.take(xw, src_full, axis=0) * norm[:, None]
    out = jax.ops.segment_sum(msgs, dst_full, num_segments=n) + b
    # PReLU with single learned parameter
    return jnp.where(out >= 0, out, prelu_a * out)

if __name__ == "__main__":
    import jax
    _d = setup_inputs()
    print(jax.jit(kernel)(*tuple(_d.values())))

</pallas_src>

<mosaic_0001>
#map = affine_map<(d0, d1) -> (0, 0)>
#map1 = affine_map<(d0, d1) -> (0)>
module attributes {stable_mosaic.version = 14 : i64} {
  func.func @_sc_degree(%arg0: i32, %arg1: i32, %arg2: memref<2560x128xi32, #tpu.memory_space<hbm>>, %arg3: memref<10240xf32, #tpu.memory_space<hbm>>, %arg4: memref<20480xf32, #tpu.memory_space<hbm>>, %arg5: memref<80x128xi32, #tpu.memory_space<vmem>>, %arg6: memref<128xf32, #tpu.memory_space<vmem>>, %arg7: memref<10240xf32, #tpu.memory_space<vmem_shared>>, %arg8: memref<!tpu.dma_semaphore, #tpu.memory_space<semaphore_mem>>) attributes {dimension_semantics = [#tpu.dimension_semantics<core_parallel>, #tpu.dimension_semantics<subcore_parallel>], iteration_bounds = array<i64: 2, 16>, scalar_prefetch = 0 : i64, scratch_operands = 4 : i64, tpu.core_type = #tpu.core_type<sc_vector_subcore>, window_params = [{transform_indices = #map}, {transform_indices = #map1}, {transform_indices = #map1}]} {
    %mul3A = arith.constant 2 : i32
    %mul3A_0 = arith.muli %arg1, %mul3A : i32
    %add3A = arith.addi %mul3A_0, %arg0 : i32
    %eq3A = arith.constant 0 : i32
    %eq3A_1 = arith.cmpi eq, %arg1, %eq3A : i32
    %convert_element_type3A = arith.extui %eq3A_1 : i1 to i32
    %cond3A = arith.constant 0 : i32
    %cond3A_2 = arith.cmpi ne, %convert_element_type3A, %cond3A : i32
    scf.if %cond3A_2 {
      "tpu.region"() ({
        %run_scoped3A = tpu.sem_alloc : memref<!tpu.dma_semaphore, #tpu.memory_space<semaphore_mem>>
        tpu.enqueue_dma source(%arg3 : memref<10240xf32, #tpu.memory_space<hbm>>) target(%arg7 : memref<10240xf32, #tpu.memory_space<vmem_shared>>) target_semaphore(%run_scoped3A : memref<!tpu.dma_semaphore, #tpu.memory_space<semaphore_mem>>)
        tpu.wait_dma2 semaphore(%run_scoped3A : memref<!tpu.dma_semaphore, #tpu.memory_space<semaphore_mem>>) src(%arg3 : memref<10240xf32, #tpu.memory_space<hbm>>) dst(%arg7 : memref<10240xf32, #tpu.memory_space<vmem_shared>>)
        tpu.yield
      }) : () -> ()
    } else {
    }
    %broadcast_in_dim3A = arith.constant 1.000000e+00 : f32
    %broadcast_in_dim3A_3 = vector.broadcast %broadcast_in_dim3A : f32 to vector<16xf32>
    %swap3A = arith.constant 0 : index
    %swap3A_4 = tpu.vector_load %arg6[%swap3A] {strides = array<i32>} : memref<128xf32, #tpu.memory_space<vmem>>, vector<16xf32>,
    %swap3A_5 = vector.shape_cast %swap3A_4 : vector<16xf32> to vector<16xf32>
    %swap3A_6 = vector.shape_cast %broadcast_in_dim3A_3 : vector<16xf32> to vector<16xf32>
    tpu.vector_store %arg6[%swap3A], %swap3A_6 {strides = array<i32>} : memref<128xf32, #tpu.memory_space<vmem>>, vector<16xf32>,
    %broadcast_in_dim3A_7 = arith.constant 1.000000e+00 : f32
    %broadcast_in_dim3A_8 = vector.broadcast %broadcast_in_dim3A_7 : f32 to vector<16xf32>
    %swap3A_9 = arith.constant 16 : index
    %swap3A_10 = tpu.vector_load %arg6[%swap3A_9] {strides = array<i32>} : memref<128xf32, #tpu.memory_space<vmem>>, vector<16xf32>,
    %swap3A_11 = vector.shape_cast %swap3A_10 : vector<16xf32> to vector<16xf32>
    %swap3A_12 = vector.shape_cast %broadcast_in_dim3A_8 : vector<16xf32> to vector<16xf32>
    tpu.vector_store %arg6[%swap3A_9], %swap3A_12 {strides = array<i32>} : memref<128xf32, #tpu.memory_space<vmem>>, vector<16xf32>,
    %broadcast_in_dim3A_13 = arith.constant 1.000000e+00 : f32
    %broadcast_in_dim3A_14 = vector.broadcast %broadcast_in_dim3A_13 : f32 to vector<16xf32>
    %swap3A_15 = arith.constant 32 : index
    %swap3A_16 = tpu.vector_load %arg6[%swap3A_15] {strides = array<i32>} : memref<128xf32, #tpu.memory_space<vmem>>, vector<16xf32>,
    %swap3A_17 = vector.shape_cast %swap3A_16 : vector<16xf32> to vector<16xf32>
    %swap3A_18 = vector.shape_cast %broadcast_in_dim3A_14 : vector<16xf32> to vector<16xf32>
    tpu.vector_store %arg6[%swap3A_15], %swap3A_18 {strides = array<i32>} : memref<128xf32, #tpu.memory_space<vmem>>, vector<16xf32>,
    %broadcast_in_dim3A_19 = arith.constant 1.000000e+00 : f32
    %broadcast_in_dim3A_20 = vector.broadcast %broadcast_in_dim3A_19 : f32 to vector<16xf32>
    %swap3A_21 = arith.constant 48 : index
    %swap3A_22 = tpu.vector_load %arg6[%swap3A_21] {strides = array<i32>} : memref<128xf32, #tpu.memory_space<vmem>>, vector<16xf32>,
    %swap3A_23 = vector.shape_cast %swap3A_22 : vector<16xf32> to vector<16xf32>
    %swap3A_24 = vector.shape_cast %broadcast_in_dim3A_20 : vector<16xf32> to vector<16xf32>
    tpu.vector_store %arg6[%swap3A_21], %swap3A_24 {strides = array<i32>} : memref<128xf32, #tpu.memory_space<vmem>>, vector<16xf32>,
    %broadcast_in_dim3A_25 = arith.constant 1.000000e+00 : f32
    %broadcast_in_dim3A_26 = vector.broadcast %broadcast_in_dim3A_25 : f32 to vector<16xf32>
    %swap3A_27 = arith.constant 64 : index
    %swap3A_28 = tpu.vector_load %arg6[%swap3A_27] {strides = array<i32>} : memref<128xf32, #tpu.memory_space<vmem>>, vector<16xf32>,
    %swap3A_29 = vector.shape_cast %swap3A_28 : vector<16xf32> to vector<16xf32>
    %swap3A_30 = vector.shape_cast %broadcast_in_dim3A_26 : vector<16xf32> to vector<16xf32>
    tpu.vector_store %arg6[%swap3A_27], %swap3A_30 {strides = array<i32>} : memref<128xf32, #tpu.memory_space<vmem>>, vector<16xf32>,
    %broadcast_in_dim3A_31 = arith.constant 1.000000e+00 : f32
    %broadcast_in_dim3A_32 = vector.broadcast %broadcast_in_dim3A_31 : f32 to vector<16xf32>
    %swap3A_33 = arith.constant 80 : index
    %swap3A_34 = tpu.vector_load %arg6[%swap3A_33] {strides = array<i32>} : memref<128xf32, #tpu.memory_space<vmem>>, vector<16xf32>,
    %swap3A_35 = vector.shape_cast %swap3A_34 : vector<16xf32> to vector<16xf32>
    %swap3A_36 = vector.shape_cast %broadcast_in_dim3A_32 : vector<16xf32> to vector<16xf32>
    tpu.vector_store %arg6[%swap3A_33], %swap3A_36 {strides = array<i32>} : memref<128xf32, #tpu.memory_space<vmem>>, vector<16xf32>,
    %broadcast_in_dim3A_37 = arith.constant 1.000000e+00 : f32
    %broadcast_in_dim3A_38 = vector.broadcast %broadcast_in_dim3A_37 : f32 to vector<16xf32>
    %swap3A_39 = arith.constant 96 : index
    %swap3A_40 = tpu.vector_load %arg6[%swap3A_39] {strides = array<i32>} : memref<128xf32, #tpu.memory_space<vmem>>, vector<16xf32>,
    %swap3A_41 = vector.shape_cast %swap3A_40 : vector<16xf32> to vector<16xf32>
    %swap3A_42 = vector.shape_cast %broadcast_in_dim3A_38 : vector<16xf32> to vector<16xf32>
    tpu.vector_store %arg6[%swap3A_39], %swap3A_42 {strides = array<i32>} : memref<128xf32, #tpu.memory_space<vmem>>, vector<16xf32>,
    %broadcast_in_dim3A_43 = arith.constant 1.000000e+00 : f32
    %broadcast_in_dim3A_44 = vector.broadcast %broadcast_in_dim3A_43 : f32 to vector<16xf32>
    %swap3A_45 = arith.constant 112 : index
    %swap3A_46 = tpu.vector_load %arg6[%swap3A_45] {strides = array<i32>} : memref<128xf32, #tpu.memory_space<vmem>>, vector<16xf32>,
    %swap3A_47 = vector.shape_cast %swap3A_46 : vector<16xf32> to vector<16xf32>
    %swap3A_48 = vector.shape_cast %broadcast_in_dim3A_44 : vector<16xf32> to vector<16xf32>
    tpu.vector_store %arg6[%swap3A_45], %swap3A_48 {strides = array<i32>} : memref<128xf32, #tpu.memory_space<vmem>>, vector<16xf32>,
    %mul3A_49 = arith.constant 80 : i32
    %mul3A_50 = arith.muli %add3A, %mul3A_49 : i32
    "tpu.region"() ({
      %run_scoped3A = tpu.sem_alloc : memref<!tpu.dma_semaphore, #tpu.memory_space<semaphore_mem>>
      %dma_start3A = arith.constant 0 : i32
      %dma_start3A_70 = tpu.memref_slice %arg2[%mul3A_50, %dma_start3A] : memref<2560x128xi32, #tpu.memory_space<hbm>> -> memref<80x128xi32, #tpu.memory_space<hbm>>
      %dma_start3A_71 = arith.constant 0 : i32
      %dma_start3A_72 = tpu.memref_slice %arg2[%mul3A_50, %dma_start3A_71] : memref<2560x128xi32, #tpu.memory_space<hbm>> -> memref<80x128xi32, #tpu.memory_space<hbm>>
      tpu.enqueue_dma source(%dma_start3A_72 : memref<80x128xi32, #tpu.memory_space<hbm>>) target(%arg5 : memref<80x128xi32, #tpu.memory_space<vmem>>) target_semaphore(%run_scoped3A : memref<!tpu.dma_semaphore, #tpu.memory_space<semaphore_mem>>)
      %dma_wait3A = arith.constant 0 : i32
      %dma_wait3A_73 = tpu.memref_slice %arg2[%mul3A_50, %dma_wait3A] : memref<2560x128xi32, #tpu.memory_space<hbm>> -> memref<80x128xi32, #tpu.memory_space<hbm>>
      %dma_wait3A_74 = arith.constant 0 : i32
      %dma_wait3A_75 = tpu.memref_slice %arg2[%mul3A_50, %dma_wait3A_74] : memref<2560x128xi32, #tpu.memory_space<hbm>> -> memref<80x128xi32, #tpu.memory_space<hbm>>
      tpu.wait_dma2 semaphore(%run_scoped3A : memref<!tpu.dma_semaphore, #tpu.memory_space<semaphore_mem>>) src(%dma_wait3A_75 : memref<80x128xi32, #tpu.memory_space<hbm>>) dst(%arg5 : memref<80x128xi32, #tpu.memory_space<vmem>>)
      tpu.yield
    }) : () -> ()
    %barrier3A = arith.constant 0 : index
    tpu.barrier barrier_id(%barrier3A)
    %scan3A = arith.constant 0 : i32
    %scan3A_51 = arith.constant 0 : i32
    %scan3A_52 = arith.constant 80 : i32
    %scan3A_53 = arith.addi %scan3A_51, %scan3A_52 : i32
    %scan3A_54 = arith.constant 1 : i32
    scf.for %scan3A_70 = %scan3A_51 to %scan3A_53 step %scan3A_54  : i32 {
      %dma_start3A = arith.constant 0 : i32
      %dma_start3A_71 = tpu.memref_slice %arg5[%scan3A_70, %dma_start3A] : memref<80x128xi32, #tpu.memory_space<vmem>> -> memref<1x128xi32, #tpu.memory_space<vmem>>
      %dma_start3A_72 = tpu.memref_squeeze %dma_start3A_71 : memref<1x128xi32, #tpu.memory_space<vmem>> -> memref<128xi32, #tpu.memory_space<vmem>>
      %dma_start3A_73 = arith.constant 0 : i32
      %dma_start3A_74 = tpu.memref_slice %arg7[%dma_start3A_73] : memref<10240xf32, #tpu.memory_space<vmem_shared>> -> memref<10240xf32, #tpu.memory_space<vmem_shared>>
      tpu.enqueue_indirect_dma source(%arg6 : memref<128xf32, #tpu.memory_space<vmem>>) target(%dma_start3A_74 : memref<10240xf32, #tpu.memory_space<vmem_shared>>) offsets(%dma_start3A_72 : memref<128xi32, #tpu.memory_space<vmem>>) semaphore(%arg8 : memref<!tpu.dma_semaphore, #tpu.memory_space<semaphore_mem>>) {add = true}
    }
    %scan3A_55 = arith.constant 80 : i32
    %scan3A_56 = arith.constant 0 : i32
    %scan3A_57 = arith.constant 0 : i32
    %scan3A_58 = arith.constant 80 : i32
    %scan3A_59 = arith.addi %scan3A_57, %scan3A_58 : i32
    %scan3A_60 = arith.constant 1 : i32
    scf.for %scan3A_70 = %scan3A_57 to %scan3A_59 step %scan3A_60  : i32 {
      %dma_wait3A = arith.constant 0 : i32
      %dma_wait3A_71 = arith.constant 0 : i32
      %dma_wait3A_72 = tpu.memref_slice %arg5[%dma_wait3A, %dma_wait3A_71] : memref<80x128xi32, #tpu.memory_space<vmem>> -> memref<1x128xi32, #tpu.memory_space<vmem>>
      %dma_wait3A_73 = tpu.memref_squeeze %dma_wait3A_72 : memref<1x128xi32, #tpu.memory_space<vmem>> -> memref<128xi32, #tpu.memory_space<vmem>>
      %dma_wait3A_74 = arith.constant 0 : i32
      %dma_wait3A_75 = tpu.memref_slice %arg7[%dma_wait3A_74] : memref<10240xf32, #tpu.memory_space<vmem_shared>> -> memref<10240xf32, #tpu.memory_space<vmem_shared>>
      tpu.wait_indirect_dma semaphore(%arg8 : memref<!tpu.dma_semaphore, #tpu.memory_space<semaphore_mem>>) src(%arg6 : memref<128xf32, #tpu.memory_space<vmem>>) dst(%dma_wait3A_75 : memref<10240xf32, #tpu.memory_space<vmem_shared>>)
    }
    %scan3A_61 = arith.constant 80 : i32
    %barrier3A_62 = arith.constant 0 : index
    tpu.barrier barrier_id(%barrier3A_62)
    %mul3A_63 = arith.constant 640 : i32
    %mul3A_64 = arith.muli %arg1, %mul3A_63 : i32
    %mul3A_65 = arith.constant 10240 : i32
    %mul3A_66 = arith.muli %arg0, %mul3A_65 : i32
    %mul3A_67 = arith.constant 640 : i32
    %mul3A_68 = arith.muli %arg1, %mul3A_67 : i32
    %add3A_69 = arith.addi %mul3A_66, %mul3A_68 : i32
    "tpu.region"() ({
      %run_scoped3A = tpu.sem_alloc : memref<!tpu.dma_semaphore, #tpu.memory_space<semaphore_mem>>
      %dma_start3A = tpu.memref_slice %arg4[%add3A_69] : memref<20480xf32, #tpu.memory_space<hbm>> -> memref<640xf32, #tpu.memory_space<hbm>>
      %dma_start3A_70 = tpu.memref_slice %arg7[%mul3A_64] : memref<10240xf32, #tpu.memory_space<vmem_shared>> -> memref<640xf32, #tpu.memory_space<vmem_shared>>
      tpu.enqueue_dma source(%dma_start3A_70 : memref<640xf32, #tpu.memory_space<vmem_shared>>) target(%dma_start3A : memref<640xf32, #tpu.memory_space<hbm>>) target_semaphore(%run_scoped3A : memref<!tpu.dma_semaphore, #tpu.memory_space<semaphore_mem>>)
      %dma_wait3A = tpu.memref_slice %arg4[%add3A_69] : memref<20480xf32, #tpu.memory_space<hbm>> -> memref<640xf32, #tpu.memory_space<hbm>>
      %dma_wait3A_71 = tpu.memref_slice %arg7[%mul3A_64] : memref<10240xf32, #tpu.memory_space<vmem_shared>> -> memref<640xf32, #tpu.memory_space<vmem_shared>>
      tpu.wait_dma2 semaphore(%run_scoped3A : memref<!tpu.dma_semaphore, #tpu.memory_space<semaphore_mem>>) src(%dma_wait3A_71 : memref<640xf32, #tpu.memory_space<vmem_shared>>) dst(%dma_wait3A : memref<640xf32, #tpu.memory_space<hbm>>)
      tpu.yield
    }) : () -> ()
    return
  }
}

#map = affine_map<(d0, d1) -> (0, 0)>
module attributes {stable_mosaic.version = 14 : i64} {
  func.func @_sc_messages(%arg0: i32, %arg1: i32, %arg2: memref<10000x128xf32, #tpu.memory_space<hbm>>, %arg3: memref<2560x128xi32, #tpu.memory_space<hbm>>, %arg4: memref<2560x128xi32, #tpu.memory_space<hbm>>, %arg5: memref<640x128xf32, #tpu.memory_space<hbm>>, %arg6: memref<20480x128xf32, #tpu.memory_space<hbm>>, %arg7: memref<40x128xi32, #tpu.memory_space<vmem>>, %arg8: memref<40x128xi32, #tpu.memory_space<vmem>>, %arg9: memref<128x128xf32, #tpu.memory_space<vmem>>, %arg10: memref<128x128xf32, #tpu.memory_space<vmem>>, %arg11: memref<10240x128xf32, #tpu.memory_space<vmem_shared>>, %arg12: memref<!tpu.dma_semaphore, #tpu.memory_space<semaphore_mem>>, %arg13: memref<!tpu.dma_semaphore, #tpu.memory_space<semaphore_mem>>) attributes {dimension_semantics = [#tpu.dimension_semantics<core_parallel>, #tpu.dimension_semantics<subcore_parallel>], iteration_bounds = array<i64: 2, 16>, scalar_prefetch = 0 : i64, scratch_operands = 7 : i64, tpu.core_type = #tpu.core_type<sc_vector_subcore>, window_params = [{transform_indices = #map}, {transform_indices = #map}, {transform_indices = #map}, {transform_indices = #map}, {transform_indices = #map}]} {
    %mul3A = arith.constant 2 : i32
    %mul3A_0 = arith.muli %arg1, %mul3A : i32
    %add3A = arith.addi %mul3A_0, %arg0 : i32
    %mul3A_1 = arith.constant 640 : i32
    %mul3A_2 = arith.muli %arg1, %mul3A_1 : i32
    "tpu.region"() ({
      %run_scoped3A_87 = tpu.sem_alloc : memref<!tpu.dma_semaphore, #tpu.memory_space<semaphore_mem>>
      %dma_start3A_88 = arith.constant 0 : i32
      %dma_start3A_89 = tpu.memref_slice %arg11[%mul3A_2, %dma_start3A_88] : memref<10240x128xf32, #tpu.memory_space<vmem_shared>> -> memref<640x128xf32, #tpu.memory_space<vmem_shared>>
      tpu.enqueue_dma source(%arg5 : memref<640x128xf32, #tpu.memory_space<hbm>>) target(%dma_start3A_89 : memref<640x128xf32, #tpu.memory_space<vmem_shared>>) target_semaphore(%run_scoped3A_87 : memref<!tpu.dma_semaphore, #tpu.memory_space<semaphore_mem>>)
      %dma_wait3A_90 = arith.constant 0 : i32
      %dma_wait3A_91 = tpu.memref_slice %arg11[%mul3A_2, %dma_wait3A_90] : memref<10240x128xf32, #tpu.memory_space<vmem_shared>> -> memref<640x128xf32, #tpu.memory_space<vmem_shared>>
      tpu.wait_dma2 semaphore(%run_scoped3A_87 : memref<!tpu.dma_semaphore, #tpu.memory_space<semaphore_mem>>) src(%arg5 : memref<640x128xf32, #tpu.memory_space<hbm>>) dst(%dma_wait3A_91 : memref<640x128xf32, #tpu.memory_space<vmem_shared>>)
      tpu.yield
    }) : () -> ()
    %barrier3A = arith.constant 0 : index
    tpu.barrier barrier_id(%barrier3A)
    %mul3A_3 = arith.constant 80 : i32
    %mul3A_4 = arith.muli %add3A, %mul3A_3 : i32
    %add3A_5 = arith.constant 0 : i32
    %add3A_6 = arith.addi %mul3A_4, %add3A_5 : i32
    "tpu.region"() ({
      %run_scoped3A_87 = tpu.sem_alloc : memref<!tpu.dma_semaphore, #tpu.memory_space<semaphore_mem>>
      %dma_start3A_88 = arith.constant 0 : i32
      %dma_start3A_89 = tpu.memref_slice %arg3[%add3A_6, %dma_start3A_88] : memref<2560x128xi32, #tpu.memory_space<hbm>> -> memref<40x128xi32, #tpu.memory_space<hbm>>
      %dma_start3A_90 = arith.constant 0 : i32
      %dma_start3A_91 = tpu.memref_slice %arg3[%add3A_6, %dma_start3A_90] : memref<2560x128xi32, #tpu.memory_space<hbm>> -> memref<40x128xi32, #tpu.memory_space<hbm>>
      tpu.enqueue_dma source(%dma_start3A_91 : memref<40x128xi32, #tpu.memory_space<hbm>>) target(%arg7 : memref<40x128xi32, #tpu.memory_space<vmem>>) target_semaphore(%run_scoped3A_87 : memref<!tpu.dma_semaphore, #tpu.memory_space<semaphore_mem>>)
      %dma_wait3A_92 = arith.constant 0 : i32
      %dma_wait3A_93 = tpu.memref_slice %arg3[%add3A_6, %dma_wait3A_92] : memref<2560x128xi32, #tpu.memory_space<hbm>> -> memref<40x128xi32, #tpu.memory_space<hbm>>
      %dma_wait3A_94 = arith.constant 0 : i32
      %dma_wait3A_95 = tpu.memref_slice %arg3[%add3A_6, %dma_wait3A_94] : memref<2560x128xi32, #tpu.memory_space<hbm>> -> memref<40x128xi32, #tpu.memory_space<hbm>>
      tpu.wait_dma2 semaphore(%run_scoped3A_87 : memref<!tpu.dma_semaphore, #tpu.memory_space<semaphore_mem>>) src(%dma_wait3A_95 : memref<40x128xi32, #tpu.memory_space<hbm>>) dst(%arg7 : memref<40x128xi32, #tpu.memory_space<vmem>>)
      tpu.yield
    }) : () -> ()
    "tpu.region"() ({
      %run_scoped3A_87 = tpu.sem_alloc : memref<!tpu.dma_semaphore, #tpu.memory_space<semaphore_mem>>
      %dma_start3A_88 = arith.constant 0 : i32
      %dma_start3A_89 = tpu.memref_slice %arg4[%add3A_6, %dma_start3A_88] : memref<2560x128xi32, #tpu.memory_space<hbm>> -> memref<40x128xi32, #tpu.memory_space<hbm>>
      %dma_start3A_90 = arith.constant 0 : i32
      %dma_start3A_91 = tpu.memref_slice %arg4[%add3A_6, %dma_start3A_90] : memref<2560x128xi32, #tpu.memory_space<hbm>> -> memref<40x128xi32, #tpu.memory_space<hbm>>
      tpu.enqueue_dma source(%dma_start3A_91 : memref<40x128xi32, #tpu.memory_space<hbm>>) target(%arg8 : memref<40x128xi32, #tpu.memory_space<vmem>>) target_semaphore(%run_scoped3A_87 : memref<!tpu.dma_semaphore, #tpu.memory_space<semaphore_mem>>)
      %dma_wait3A_92 = arith.constant 0 : i32
      %dma_wait3A_93 = tpu.memref_slice %arg4[%add3A_6, %dma_wait3A_92] : memref<2560x128xi32, #tpu.memory_space<hbm>> -> memref<40x128xi32, #tpu.memory_space<hbm>>
      %dma_wait3A_94 = arith.constant 0 : i32
      %dma_wait3A_95 = tpu.memref_slice %arg4[%add3A_6, %dma_wait3A_94] : memref<2560x128xi32, #tpu.memory_space<hbm>> -> memref<40x128xi32, #tpu.memory_space<hbm>>
      tpu.wait_dma2 semaphore(%run_scoped3A_87 : memref<!tpu.dma_semaphore, #tpu.memory_space<semaphore_mem>>) src(%dma_wait3A_95 : memref<40x128xi32, #tpu.memory_space<hbm>>) dst(%arg8 : memref<40x128xi32, #tpu.memory_space<vmem>>)
      tpu.yield
    }) : () -> ()
    %dma_start3A = arith.constant 0 : i32
    %dma_start3A_7 = arith.constant 0 : i32
    %dma_start3A_8 = tpu.memref_slice %arg7[%dma_start3A, %dma_start3A_7] : memref<40x128xi32, #tpu.memory_space<vmem>> -> memref<1x128xi32, #tpu.memory_space<vmem>>
    %dma_start3A_9 = tpu.memref_squeeze %dma_start3A_8 : memref<1x128xi32, #tpu.memory_space<vmem>> -> memref<128xi32, #tpu.memory_space<vmem>>
    %dma_start3A_10 = arith.constant 0 : i32
    %dma_start3A_11 = arith.constant 0 : i32
    %dma_start3A_12 = tpu.memref_slice %arg2[%dma_start3A_10, %dma_start3A_11] : memref<10000x128xf32, #tpu.memory_space<hbm>> -> memref<10000x128xf32, #tpu.memory_space<hbm>>
    tpu.enqueue_indirect_dma source(%dma_start3A_12 : memref<10000x128xf32, #tpu.memory_space<hbm>>) target(%arg9 : memref<128x128xf32, #tpu.memory_space<vmem>>) offsets(%dma_start3A_9 : memref<128xi32, #tpu.memory_space<vmem>>) semaphore(%arg12 : memref<!tpu.dma_semaphore, #tpu.memory_space<semaphore_mem>>)
    %dma_start3A_13 = arith.constant 1 : i32
    %dma_start3A_14 = arith.constant 0 : i32
    %dma_start3A_15 = tpu.memref_slice %arg7[%dma_start3A_13, %dma_start3A_14] : memref<40x128xi32, #tpu.memory_space<vmem>> -> memref<1x128xi32, #tpu.memory_space<vmem>>
    %dma_start3A_16 = tpu.memref_squeeze %dma_start3A_15 : memref<1x128xi32, #tpu.memory_space<vmem>> -> memref<128xi32, #tpu.memory_space<vmem>>
    %dma_start3A_17 = arith.constant 0 : i32
    %dma_start3A_18 = arith.constant 0 : i32
    %dma_start3A_19 = tpu.memref_slice %arg2[%dma_start3A_17, %dma_start3A_18] : memref<10000x128xf32, #tpu.memory_space<hbm>> -> memref<10000x128xf32, #tpu.memory_space<hbm>>
    tpu.enqueue_indirect_dma source(%dma_start3A_19 : memref<10000x128xf32, #tpu.memory_space<hbm>>) target(%arg10 : memref<128x128xf32, #tpu.memory_space<vmem>>) offsets(%dma_start3A_16 : memref<128xi32, #tpu.memory_space<vmem>>) semaphore(%arg13 : memref<!tpu.dma_semaphore, #tpu.memory_space<semaphore_mem>>)
    %scan3A = arith.constant 0 : i32
    %scan3A_20 = arith.constant 0 : i32
    %scan3A_21 = arith.constant 19 : i32
    %scan3A_22 = arith.addi %scan3A_20, %scan3A_21 : i32
    %scan3A_23 = arith.constant 1 : i32
    scf.for %scan3A_87 = %scan3A_20 to %scan3A_22 step %scan3A_23  : i32 {
      %mul3A_88 = arith.constant 2 : i32
      %mul3A_89 = arith.muli %mul3A_88, %scan3A_87 : i32
      %dma_wait3A_90 = arith.constant 0 : i32
      %dma_wait3A_91 = tpu.memref_slice %arg7[%mul3A_89, %dma_wait3A_90] : memref<40x128xi32, #tpu.memory_space<vmem>> -> memref<1x128xi32, #tpu.memory_space<vmem>>
      %dma_wait3A_92 = tpu.memref_squeeze %dma_wait3A_91 : memref<1x128xi32, #tpu.memory_space<vmem>> -> memref<128xi32, #tpu.memory_space<vmem>>
      %dma_wait3A_93 = arith.constant 0 : i32
      %dma_wait3A_94 = arith.constant 0 : i32
      %dma_wait3A_95 = tpu.memref_slice %arg2[%dma_wait3A_93, %dma_wait3A_94] : memref<10000x128xf32, #tpu.memory_space<hbm>> -> memref<10000x128xf32, #tpu.memory_space<hbm>>
      tpu.wait_indirect_dma semaphore(%arg12 : memref<!tpu.dma_semaphore, #tpu.memory_space<semaphore_mem>>) src(%dma_wait3A_95 : memref<10000x128xf32, #tpu.memory_space<hbm>>) dst(%arg9 : memref<128x128xf32, #tpu.memory_space<vmem>>)
      "tpu.region"() ({
        %run_scoped3A_122 = tpu.sem_alloc : memref<!tpu.dma_semaphore, #tpu.memory_space<semaphore_mem>>
        %dma_start3A_123 = arith.constant 0 : i32
        %dma_start3A_124 = tpu.memref_slice %arg8[%mul3A_89, %dma_start3A_123] : memref<40x128xi32, #tpu.memory_space<vmem>> -> memref<1x128xi32, #tpu.memory_space<vmem>>
        %dma_start3A_125 = tpu.memref_squeeze %dma_start3A_124 : memref<1x128xi32, #tpu.memory_space<vmem>> -> memref<128xi32, #tpu.memory_space<vmem>>
        %dma_start3A_126 = arith.constant 0 : i32
        %dma_start3A_127 = arith.constant 0 : i32
        %dma_start3A_128 = tpu.memref_slice %arg11[%dma_start3A_126, %dma_start3A_127] : memref<10240x128xf32, #tpu.memory_space<vmem_shared>> -> memref<10240x128xf32, #tpu.memory_space<vmem_shared>>
        tpu.enqueue_indirect_dma source(%arg9 : memref<128x128xf32, #tpu.memory_space<vmem>>) target(%dma_start3A_128 : memref<10240x128xf32, #tpu.memory_space<vmem_shared>>) offsets(%dma_start3A_125 : memref<128xi32, #tpu.memory_space<vmem>>) semaphore(%run_scoped3A_122 : memref<!tpu.dma_semaphore, #tpu.memory_space<semaphore_mem>>) {add = true}
        %dma_wait3A_129 = arith.constant 0 : i32
        %dma_wait3A_130 = tpu.memref_slice %arg8[%mul3A_89, %dma_wait3A_129] : memref<40x128xi32, #tpu.memory_space<vmem>> -> memref<1x128xi32, #tpu.memory_space<vmem>>
        %dma_wait3A_131 = tpu.memref_squeeze %dma_wait3A_130 : memref<1x128xi32, #tpu.memory_space<vmem>> -> memref<128xi32, #tpu.memory_space<vmem>>
        %dma_wait3A_132 = arith.constant 0 : i32
        %dma_wait3A_133 = arith.constant 0 : i32
        %dma_wait3A_134 = tpu.memref_slice %arg11[%dma_wait3A_132, %dma_wait3A_133] : memref<10240x128xf32, #tpu.memory_space<vmem_shared>> -> memref<10240x128xf32, #tpu.memory_space<vmem_shared>>
        tpu.wait_indirect_dma semaphore(%run_scoped3A_122 : memref<!tpu.dma_semaphore, #tpu.memory_space<semaphore_mem>>) src(%arg9 : memref<128x128xf32, #tpu.memory_space<vmem>>) dst(%dma_wait3A_134 : memref<10240x128xf32, #tpu.memory_space<vmem_shared>>)
        tpu.yield
      }) : () -> ()
      %add3A_96 = arith.constant 2 : i32
      %add3A_97 = arith.addi %mul3A_89, %add3A_96 : i32
      %dma_start3A_98 = arith.constant 0 : i32
      %dma_start3A_99 = tpu.memref_slice %arg7[%add3A_97, %dma_start3A_98] : memref<40x128xi32, #tpu.memory_space<vmem>> -> memref<1x128xi32, #tpu.memory_space<vmem>>
      %dma_start3A_100 = tpu.memref_squeeze %dma_start3A_99 : memref<1x128xi32, #tpu.memory_space<vmem>> -> memref<128xi32, #tpu.memory_space<vmem>>
      %dma_start3A_101 = arith.constant 0 : i32
      %dma_start3A_102 = arith.constant 0 : i32
      %dma_start3A_103 = tpu.memref_slice %arg2[%dma_start3A_101, %dma_start3A_102] : memref<10000x128xf32, #tpu.memory_space<hbm>> -> memref<10000x128xf32, #tpu.memory_space<hbm>>
      tpu.enqueue_indirect_dma source(%dma_start3A_103 : memref<10000x128xf32, #tpu.memory_space<hbm>>) target(%arg9 : memref<128x128xf32, #tpu.memory_space<vmem>>) offsets(%dma_start3A_100 : memref<128xi32, #tpu.memory_space<vmem>>) semaphore(%arg12 : memref<!tpu.dma_semaphore, #tpu.memory_space<semaphore_mem>>)
      %add3A_104 = arith.constant 1 : i32
      %add3A_105 = arith.addi %mul3A_89, %add3A_104 : i32
      %dma_wait3A_106 = arith.constant 0 : i32
      %dma_wait3A_107 = tpu.memref_slice %arg7[%add3A_105, %dma_wait3A_106] : memref<40x128xi32, #tpu.memory_space<vmem>> -> memref<1x128xi32, #tpu.memory_space<vmem>>
      %dma_wait3A_108 = tpu.memref_squeeze %dma_wait3A_107 : memref<1x128xi32, #tpu.memory_space<vmem>> -> memref<128xi32, #tpu.memory_space<vmem>>
      %dma_wait3A_109 = arith.constant 0 : i32
      %dma_wait3A_110 = arith.constant 0 : i32
      %dma_wait3A_111 = tpu.memref_slice %arg2[%dma_wait3A_109, %dma_wait3A_110] : memref<10000x128xf32, #tpu.memory_space<hbm>> -> memref<10000x128xf32, #tpu.memory_space<hbm>>
      tpu.wait_indirect_dma semaphore(%arg13 : memref<!tpu.dma_semaphore, #tpu.memory_space<semaphore_mem>>) src(%dma_wait3A_111 : memref<10000x128xf32, #tpu.memory_space<hbm>>) dst(%arg10 : memref<128x128xf32, #tpu.memory_space<vmem>>)
      %add3A_112 = arith.constant 1 : i32
      %add3A_113 = arith.addi %mul3A_89, %add3A_112 : i32
      "tpu.region"() ({
        %run_scoped3A_122 = tpu.sem_alloc : memref<!tpu.dma_semaphore, #tpu.memory_space<semaphore_mem>>
        %dma_start3A_123 = arith.constant 0 : i32
        %dma_start3A_124 = tpu.memref_slice %arg8[%add3A_113, %dma_start3A_123] : memref<40x128xi32, #tpu.memory_space<vmem>> -> memref<1x128xi32, #tpu.memory_space<vmem>>
        %dma_start3A_125 = tpu.memref_squeeze %dma_start3A_124 : memref<1x128xi32, #tpu.memory_space<vmem>> -> memref<128xi32, #tpu.memory_space<vmem>>
        %dma_start3A_126 = arith.constant 0 : i32
        %dma_start3A_127 = arith.constant 0 : i32
        %dma_start3A_128 = tpu.memref_slice %arg11[%dma_start3A_126, %dma_start3A_127] : memref<10240x128xf32, #tpu.memory_space<vmem_shared>> -> memref<10240x128xf32, #tpu.memory_space<vmem_shared>>
        tpu.enqueue_indirect_dma source(%arg10 : memref<128x128xf32, #tpu.memory_space<vmem>>) target(%dma_start3A_128 : memref<10240x128xf32, #tpu.memory_space<vmem_shared>>) offsets(%dma_start3A_125 : memref<128xi32, #tpu.memory_space<vmem>>) semaphore(%run_scoped3A_122 : memref<!tpu.dma_semaphore, #tpu.memory_space<semaphore_mem>>) {add = true}
        %dma_wait3A_129 = arith.constant 0 : i32
        %dma_wait3A_130 = tpu.memref_slice %arg8[%add3A_113, %dma_wait3A_129] : memref<40x128xi32, #tpu.memory_space<vmem>> -> memref<1x128xi32, #tpu.memory_space<vmem>>
        %dma_wait3A_131 = tpu.memref_squeeze %dma_wait3A_130 : memref<1x128xi32, #tpu.memory_space<vmem>> -> memref<128xi32, #tpu.memory_space<vmem>>
        %dma_wait3A_132 = arith.constant 0 : i32
        %dma_wait3A_133 = arith.constant 0 : i32
        %dma_wait3A_134 = tpu.memref_slice %arg11[%dma_wait3A_132, %dma_wait3A_133] : memref<10240x128xf32, #tpu.memory_space<vmem_shared>> -> memref<10240x128xf32, #tpu.memory_space<vmem_shared>>
        tpu.wait_indirect_dma semaphore(%run_scoped3A_122 : memref<!tpu.dma_semaphore, #tpu.memory_space<semaphore_mem>>) src(%arg10 : memref<128x128xf32, #tpu.memory_space<vmem>>) dst(%dma_wait3A_134 : memref<10240x128xf32, #tpu.memory_space<vmem_shared>>)
        tpu.yield
      }) : () -> ()
      %add3A_114 = arith.constant 3 : i32
      %add3A_115 = arith.addi %mul3A_89, %add3A_114 : i32
      %dma_start3A_116 = arith.constant 0 : i32
      %dma_start3A_117 = tpu.memref_slice %arg7[%add3A_115, %dma_start3A_116] : memref<40x128xi32, #tpu.memory_space<vmem>> -> memref<1x128xi32, #tpu.memory_space<vmem>>
      %dma_start3A_118 = tpu.memref_squeeze %dma_start3A_117 : memref<1x128xi32, #tpu.memory_space<vmem>> -> memref<128xi32, #tpu.memory_space<vmem>>
      %dma_start3A_119 = arith.constant 0 : i32
      %dma_start3A_120 = arith.constant 0 : i32
      %dma_start3A_121 = tpu.memref_slice %arg2[%dma_start3A_119, %dma_start3A_120] : memref<10000x128xf32, #tpu.memory_space<hbm>> -> memref<10000x128xf32, #tpu.memory_space<hbm>>
      tpu.enqueue_indirect_dma source(%dma_start3A_121 : memref<10000x128xf32, #tpu.memory_space<hbm>>) target(%arg10 : memref<128x128xf32, #tpu.memory_space<vmem>>) offsets(%dma_start3A_118 : memref<128xi32, #tpu.memory_space<vmem>>) semaphore(%arg13 : memref<!tpu.dma_semaphore, #tpu.memory_space<semaphore_mem>>)
    }
    %scan3A_24 = arith.constant 19 : i32
    %dma_wait3A = arith.constant 38 : i32
    %dma_wait3A_25 = arith.constant 0 : i32
    %dma_wait3A_26 = tpu.memref_slice %arg7[%dma_wait3A, %dma_wait3A_25] : memref<40x128xi32, #tpu.memory_space<vmem>> -> memref<1x128xi32, #tpu.memory_space<vmem>>
    %dma_wait3A_27 = tpu.memref_squeeze %dma_wait3A_26 : memref<1x128xi32, #tpu.memory_space<vmem>> -> memref<128xi32, #tpu.memory_space<vmem>>
    %dma_wait3A_28 = arith.constant 0 : i32
    %dma_wait3A_29 = arith.constant 0 : i32
    %dma_wait3A_30 = tpu.memref_slice %arg2[%dma_wait3A_28, %dma_wait3A_29] : memref<10000x128xf32, #tpu.memory_space<hbm>> -> memref<10000x128xf32, #tpu.memory_space<hbm>>
    tpu.wait_indirect_dma semaphore(%arg12 : memref<!tpu.dma_semaphore, #tpu.memory_space<semaphore_mem>>) src(%dma_wait3A_30 : memref<10000x128xf32, #tpu.memory_space<hbm>>) dst(%arg9 : memref<128x128xf32, #tpu.memory_space<vmem>>)
    %run_scoped3A = arith.constant 38 : i32
    "tpu.region"() ({
      %run_scoped3A_87 = tpu.sem_alloc : memref<!tpu.dma_semaphore, #tpu.memory_space<semaphore_mem>>
      %dma_start3A_88 = arith.constant 0 : i32
      %dma_start3A_89 = tpu.memref_slice %arg8[%run_scoped3A, %dma_start3A_88] : memref<40x128xi32, #tpu.memory_space<vmem>> -> memref<1x128xi32, #tpu.memory_space<vmem>>
      %dma_start3A_90 = tpu.memref_squeeze %dma_start3A_89 : memref<1x128xi32, #tpu.memory_space<vmem>> -> memref<128xi32, #tpu.memory_space<vmem>>
      %dma_start3A_91 = arith.constant 0 : i32
      %dma_start3A_92 = arith.constant 0 : i32
      %dma_start3A_93 = tpu.memref_slice %arg11[%dma_start3A_91, %dma_start3A_92] : memref<10240x128xf32, #tpu.memory_space<vmem_shared>> -> memref<10240x128xf32, #tpu.memory_space<vmem_shared>>
      tpu.enqueue_indirect_dma source(%arg9 : memref<128x128xf32, #tpu.memory_space<vmem>>) target(%dma_start3A_93 : memref<10240x128xf32, #tpu.memory_space<vmem_shared>>) offsets(%dma_start3A_90 : memref<128xi32, #tpu.memory_space<vmem>>) semaphore(%run_scoped3A_87 : memref<!tpu.dma_semaphore, #tpu.memory_space<semaphore_mem>>) {add = true}
      %dma_wait3A_94 = arith.constant 0 : i32
      %dma_wait3A_95 = tpu.memref_slice %arg8[%run_scoped3A, %dma_wait3A_94] : memref<40x128xi32, #tpu.memory_space<vmem>> -> memref<1x128xi32, #tpu.memory_space<vmem>>
      %dma_wait3A_96 = tpu.memref_squeeze %dma_wait3A_95 : memref<1x128xi32, #tpu.memory_space<vmem>> -> memref<128xi32, #tpu.memory_space<vmem>>
      %dma_wait3A_97 = arith.constant 0 : i32
      %dma_wait3A_98 = arith.constant 0 : i32
      %dma_wait3A_99 = tpu.memref_slice %arg11[%dma_wait3A_97, %dma_wait3A_98] : memref<10240x128xf32, #tpu.memory_space<vmem_shared>> -> memref<10240x128xf32, #tpu.memory_space<vmem_shared>>
      tpu.wait_indirect_dma semaphore(%run_scoped3A_87 : memref<!tpu.dma_semaphore, #tpu.memory_space<semaphore_mem>>) src(%arg9 : memref<128x128xf32, #tpu.memory_space<vmem>>) dst(%dma_wait3A_99 : memref<10240x128xf32, #tpu.memory_space<vmem_shared>>)
      tpu.yield
    }) : () -> ()
    %dma_wait3A_31 = arith.constant 39 : i32
    %dma_wait3A_32 = arith.constant 0 : i32
    %dma_wait3A_33 = tpu.memref_slice %arg7[%dma_wait3A_31, %dma_wait3A_32] : memref<40x128xi32, #tpu.memory_space<vmem>> -> memref<1x128xi32, #tpu.memory_space<vmem>>
    %dma_wait3A_34 = tpu.memref_squeeze %dma_wait3A_33 : memref<1x128xi32, #tpu.memory_space<vmem>> -> memref<128xi32, #tpu.memory_space<vmem>>
    %dma_wait3A_35 = arith.constant 0 : i32
    %dma_wait3A_36 = arith.constant 0 : i32
    %dma_wait3A_37 = tpu.memref_slice %arg2[%dma_wait3A_35, %dma_wait3A_36] : memref<10000x128xf32, #tpu.memory_space<hbm>> -> memref<10000x128xf32, #tpu.memory_space<hbm>>
    tpu.wait_indirect_dma semaphore(%arg13 : memref<!tpu.dma_semaphore, #tpu.memory_space<semaphore_mem>>) src(%dma_wait3A_37 : memref<10000x128xf32, #tpu.memory_space<hbm>>) dst(%arg10 : memref<128x128xf32, #tpu.memory_space<vmem>>)
    %run_scoped3A_38 = arith.constant 39 : i32
    "tpu.region"() ({
      %run_scoped3A_87 = tpu.sem_alloc : memref<!tpu.dma_semaphore, #tpu.memory_space<semaphore_mem>>
      %dma_start3A_88 = arith.constant 0 : i32
      %dma_start3A_89 = tpu.memref_slice %arg8[%run_scoped3A_38, %dma_start3A_88] : memref<40x128xi32, #tpu.memory_space<vmem>> -> memref<1x128xi32, #tpu.memory_space<vmem>>
      %dma_start3A_90 = tpu.memref_squeeze %dma_start3A_89 : memref<1x128xi32, #tpu.memory_space<vmem>> -> memref<128xi32, #tpu.memory_space<vmem>>
      %dma_start3A_91 = arith.constant 0 : i32
      %dma_start3A_92 = arith.constant 0 : i32
      %dma_start3A_93 = tpu.memref_slice %arg11[%dma_start3A_91, %dma_start3A_92] : memref<10240x128xf32, #tpu.memory_space<vmem_shared>> -> memref<10240x128xf32, #tpu.memory_space<vmem_shared>>
      tpu.enqueue_indirect_dma source(%arg10 : memref<128x128xf32, #tpu.memory_space<vmem>>) target(%dma_start3A_93 : memref<10240x128xf32, #tpu.memory_space<vmem_shared>>) offsets(%dma_start3A_90 : memref<128xi32, #tpu.memory_space<vmem>>) semaphore(%run_scoped3A_87 : memref<!tpu.dma_semaphore, #tpu.memory_space<semaphore_mem>>) {add = true}
      %dma_wait3A_94 = arith.constant 0 : i32
      %dma_wait3A_95 = tpu.memref_slice %arg8[%run_scoped3A_38, %dma_wait3A_94] : memref<40x128xi32, #tpu.memory_space<vmem>> -> memref<1x128xi32, #tpu.memory_space<vmem>>
      %dma_wait3A_96 = tpu.memref_squeeze %dma_wait3A_95 : memref<1x128xi32, #tpu.memory_space<vmem>> -> memref<128xi32, #tpu.memory_space<vmem>>
      %dma_wait3A_97 = arith.constant 0 : i32
      %dma_wait3A_98 = arith.constant 0 : i32
      %dma_wait3A_99 = tpu.memref_slice %arg11[%dma_wait3A_97, %dma_wait3A_98] : memref<10240x128xf32, #tpu.memory_space<vmem_shared>> -> memref<10240x128xf32, #tpu.memory_space<vmem_shared>>
      tpu.wait_indirect_dma semaphore(%run_scoped3A_87 : memref<!tpu.dma_semaphore, #tpu.memory_space<semaphore_mem>>) src(%arg10 : memref<128x128xf32, #tpu.memory_space<vmem>>) dst(%dma_wait3A_99 : memref<10240x128xf32, #tpu.memory_space<vmem_shared>>)
      tpu.yield
    }) : () -> ()
    %mul3A_39 = arith.constant 80 : i32
    %mul3A_40 = arith.muli %add3A, %mul3A_39 : i32
    %add3A_41 = arith.constant 40 : i32
    %add3A_42 = arith.addi %mul3A_40, %add3A_41 : i32
    "tpu.region"() ({
      %run_scoped3A_87 = tpu.sem_alloc : memref<!tpu.dma_semaphore, #tpu.memory_space<semaphore_mem>>
      %dma_start3A_88 = arith.constant 0 : i32
      %dma_start3A_89 = tpu.memref_slice %arg3[%add3A_42, %dma_start3A_88] : memref<2560x128xi32, #tpu.memory_space<hbm>> -> memref<40x128xi32, #tpu.memory_space<hbm>>
      %dma_start3A_90 = arith.constant 0 : i32
      %dma_start3A_91 = tpu.memref_slice %arg3[%add3A_42, %dma_start3A_90] : memref<2560x128xi32, #tpu.memory_space<hbm>> -> memref<40x128xi32, #tpu.memory_space<hbm>>
      tpu.enqueue_dma source(%dma_start3A_91 : memref<40x128xi32, #tpu.memory_space<hbm>>) target(%arg7 : memref<40x128xi32, #tpu.memory_space<vmem>>) target_semaphore(%run_scoped3A_87 : memref<!tpu.dma_semaphore, #tpu.memory_space<semaphore_mem>>)
      %dma_wait3A_92 = arith.constant 0 : i32
      %dma_wait3A_93 = tpu.memref_slice %arg3[%add3A_42, %dma_wait3A_92] : memref<2560x128xi32, #tpu.memory_space<hbm>> -> memref<40x128xi32, #tpu.memory_space<hbm>>
      %dma_wait3A_94 = arith.constant 0 : i32
      %dma_wait3A_95 = tpu.memref_slice %arg3[%add3A_42, %dma_wait3A_94] : memref<2560x128xi32, #tpu.memory_space<hbm>> -> memref<40x128xi32, #tpu.memory_space<hbm>>
      tpu.wait_dma2 semaphore(%run_scoped3A_87 : memref<!tpu.dma_semaphore, #tpu.memory_space<semaphore_mem>>) src(%dma_wait3A_95 : memref<40x128xi32, #tpu.memory_space<hbm>>) dst(%arg7 : memref<40x128xi32, #tpu.memory_space<vmem>>)
      tpu.yield
    }) : () -> ()
    "tpu.region"() ({
      %run_scoped3A_87 = tpu.sem_alloc : memref<!tpu.dma_semaphore, #tpu.memory_space<semaphore_mem>>
      %dma_start3A_88 = arith.constant 0 : i32
      %dma_start3A_89 = tpu.memref_slice %arg4[%add3A_42, %dma_start3A_88] : memref<2560x128xi32, #tpu.memory_space<hbm>> -> memref<40x128xi32, #tpu.memory_space<hbm>>
      %dma_start3A_90 = arith.constant 0 : i32
      %dma_start3A_91 = tpu.memref_slice %arg4[%add3A_42, %dma_start3A_90] : memref<2560x128xi32, #tpu.memory_space<hbm>> -> memref<40x128xi32, #tpu.memory_space<hbm>>
      tpu.enqueue_dma source(%dma_start3A_91 : memref<40x128xi32, #tpu.memory_space<hbm>>) target(%arg8 : memref<40x128xi32, #tpu.memory_space<vmem>>) target_semaphore(%run_scoped3A_87 : memref<!tpu.dma_semaphore, #tpu.memory_space<semaphore_mem>>)
      %dma_wait3A_92 = arith.constant 0 : i32
      %dma_wait3A_93 = tpu.memref_slice %arg4[%add3A_42, %dma_wait3A_92] : memref<2560x128xi32, #tpu.memory_space<hbm>> -> memref<40x128xi32, #tpu.memory_space<hbm>>
      %dma_wait3A_94 = arith.constant 0 : i32
      %dma_wait3A_95 = tpu.memref_slice %arg4[%add3A_42, %dma_wait3A_94] : memref<2560x128xi32, #tpu.memory_space<hbm>> -> memref<40x128xi32, #tpu.memory_space<hbm>>
      tpu.wait_dma2 semaphore(%run_scoped3A_87 : memref<!tpu.dma_semaphore, #tpu.memory_space<semaphore_mem>>) src(%dma_wait3A_95 : memref<40x128xi32, #tpu.memory_space<hbm>>) dst(%arg8 : memref<40x128xi32, #tpu.memory_space<vmem>>)
      tpu.yield
    }) : () -> ()
    %dma_start3A_43 = arith.constant 0 : i32
    %dma_start3A_44 = arith.constant 0 : i32
    %dma_start3A_45 = tpu.memref_slice %arg7[%dma_start3A_43, %dma_start3A_44] : memref<40x128xi32, #tpu.memory_space<vmem>> -> memref<1x128xi32, #tpu.memory_space<vmem>>
    %dma_start3A_46 = tpu.memref_squeeze %dma_start3A_45 : memref<1x128xi32, #tpu.memory_space<vmem>> -> memref<128xi32, #tpu.memory_space<vmem>>
    %dma_start3A_47 = arith.constant 0 : i32
    %dma_start3A_48 = arith.constant 0 : i32
    %dma_start3A_49 = tpu.memref_slice %arg2[%dma_start3A_47, %dma_start3A_48] : memref<10000x128xf32, #tpu.memory_space<hbm>> -> memref<10000x128xf32, #tpu.memory_space<hbm>>
    tpu.enqueue_indirect_dma source(%dma_start3A_49 : memref<10000x128xf32, #tpu.memory_space<hbm>>) target(%arg9 : memref<128x128xf32, #tpu.memory_space<vmem>>) offsets(%dma_start3A_46 : memref<128xi32, #tpu.memory_space<vmem>>) semaphore(%arg12 : memref<!tpu.dma_semaphore, #tpu.memory_space<semaphore_mem>>)
    %dma_start3A_50 = arith.constant 1 : i32
    %dma_start3A_51 = arith.constant 0 : i32
    %dma_start3A_52 = tpu.memref_slice %arg7[%dma_start3A_50, %dma_start3A_51] : memref<40x128xi32, #tpu.memory_space<vmem>> -> memref<1x128xi32, #tpu.memory_space<vmem>>
    %dma_start3A_53 = tpu.memref_squeeze %dma_start3A_52 : memref<1x128xi32, #tpu.memory_space<vmem>> -> memref<128xi32, #tpu.memory_space<vmem>>
    %dma_start3A_54 = arith.constant 0 : i32
    %dma_start3A_55 = arith.constant 0 : i32
    %dma_start3A_56 = tpu.memref_slice %arg2[%dma_start3A_54, %dma_start3A_55] : memref<10000x128xf32, #tpu.memory_space<hbm>> -> memref<10000x128xf32, #tpu.memory_space<hbm>>
    tpu.enqueue_indirect_dma source(%dma_start3A_56 : memref<10000x128xf32, #tpu.memory_space<hbm>>) target(%arg10 : memref<128x128xf32, #tpu.memory_space<vmem>>) offsets(%dma_start3A_53 : memref<128xi32, #tpu.memory_space<vmem>>) semaphore(%arg13 : memref<!tpu.dma_semaphore, #tpu.memory_space<semaphore_mem>>)
    %scan3A_57 = arith.constant 0 : i32
    %scan3A_58 = arith.constant 0 : i32
    %scan3A_59 = arith.constant 19 : i32
    %scan3A_60 = arith.addi %scan3A_58, %scan3A_59 : i32
    %scan3A_61 = arith.constant 1 : i32
    scf.for %scan3A_87 = %scan3A_58 to %scan3A_60 step %scan3A_61  : i32 {
      %mul3A_88 = arith.constant 2 : i32
      %mul3A_89 = arith.muli %mul3A_88, %scan3A_87 : i32
      %dma_wait3A_90 = arith.constant 0 : i32
      %dma_wait3A_91 = tpu.memref_slice %arg7[%mul3A_89, %dma_wait3A_90] : memref<40x128xi32, #tpu.memory_space<vmem>> -> memref<1x128xi32, #tpu.memory_space<vmem>>
      %dma_wait3A_92 = tpu.memref_squeeze %dma_wait3A_91 : memref<1x128xi32, #tpu.memory_space<vmem>> -> memref<128xi32, #tpu.memory_space<vmem>>
      %dma_wait3A_93 = arith.constant 0 : i32
      %dma_wait3A_94 = arith.constant 0 : i32
      %dma_wait3A_95 = tpu.memref_slice %arg2[%dma_wait3A_93, %dma_wait3A_94] : memref<10000x128xf32, #tpu.memory_space<hbm>> -> memref<10000x128xf32, #tpu.memory_space<hbm>>
      tpu.wait_indirect_dma semaphore(%arg12 : memref<!tpu.dma_semaphore, #tpu.memory_space<semaphore_mem>>) src(%dma_wait3A_95 : memref<10000x128xf32, #tpu.memory_space<hbm>>) dst(%arg9 : memref<128x128xf32, #tpu.memory_space<vmem>>)
      "tpu.region"() ({
        %run_scoped3A_122 = tpu.sem_alloc : memref<!tpu.dma_semaphore, #tpu.memory_space<semaphore_mem>>
        %dma_start3A_123 = arith.constant 0 : i32
        %dma_start3A_124 = tpu.memref_slice %arg8[%mul3A_89, %dma_start3A_123] : memref<40x128xi32, #tpu.memory_space<vmem>> -> memref<1x128xi32, #tpu.memory_space<vmem>>
        %dma_start3A_125 = tpu.memref_squeeze %dma_start3A_124 : memref<1x128xi32, #tpu.memory_space<vmem>> -> memref<128xi32, #tpu.memory_space<vmem>>
        %dma_start3A_126 = arith.constant 0 : i32
        %dma_start3A_127 = arith.constant 0 : i32
        %dma_start3A_128 = tpu.memref_slice %arg11[%dma_start3A_126, %dma_start3A_127] : memref<10240x128xf32, #tpu.memory_space<vmem_shared>> -> memref<10240x128xf32, #tpu.memory_space<vmem_shared>>
        tpu.enqueue_indirect_dma source(%arg9 : memref<128x128xf32, #tpu.memory_space<vmem>>) target(%dma_start3A_128 : memref<10240x128xf32, #tpu.memory_space<vmem_shared>>) offsets(%dma_start3A_125 : memref<128xi32, #tpu.memory_space<vmem>>) semaphore(%run_scoped3A_122 : memref<!tpu.dma_semaphore, #tpu.memory_space<semaphore_mem>>) {add = true}
        %dma_wait3A_129 = arith.constant 0 : i32
        %dma_wait3A_130 = tpu.memref_slice %arg8[%mul3A_89, %dma_wait3A_129] : memref<40x128xi32, #tpu.memory_space<vmem>> -> memref<1x128xi32, #tpu.memory_space<vmem>>
        %dma_wait3A_131 = tpu.memref_squeeze %dma_wait3A_130 : memref<1x128xi32, #tpu.memory_space<vmem>> -> memref<128xi32, #tpu.memory_space<vmem>>
        %dma_wait3A_132 = arith.constant 0 : i32
        %dma_wait3A_133 = arith.constant 0 : i32
        %dma_wait3A_134 = tpu.memref_slice %arg11[%dma_wait3A_132, %dma_wait3A_133] : memref<10240x128xf32, #tpu.memory_space<vmem_shared>> -> memref<10240x128xf32, #tpu.memory_space<vmem_shared>>
        tpu.wait_indirect_dma semaphore(%run_scoped3A_122 : memref<!tpu.dma_semaphore, #tpu.memory_space<semaphore_mem>>) src(%arg9 : memref<128x128xf32, #tpu.memory_space<vmem>>) dst(%dma_wait3A_134 : memref<10240x128xf32, #tpu.memory_space<vmem_shared>>)
        tpu.yield
      }) : () -> ()
      %add3A_96 = arith.constant 2 : i32
      %add3A_97 = arith.addi %mul3A_89, %add3A_96 : i32
      %dma_start3A_98 = arith.constant 0 : i32
      %dma_start3A_99 = tpu.memref_slice %arg7[%add3A_97, %dma_start3A_98] : memref<40x128xi32, #tpu.memory_space<vmem>> -> memref<1x128xi32, #tpu.memory_space<vmem>>
      %dma_start3A_100 = tpu.memref_squeeze %dma_start3A_99 : memref<1x128xi32, #tpu.memory_space<vmem>> -> memref<128xi32, #tpu.memory_space<vmem>>
      %dma_start3A_101 = arith.constant 0 : i32
      %dma_start3A_102 = arith.constant 0 : i32
      %dma_start3A_103 = tpu.memref_slice %arg2[%dma_start3A_101, %dma_start3A_102] : memref<10000x128xf32, #tpu.memory_space<hbm>> -> memref<10000x128xf32, #tpu.memory_space<hbm>>
      tpu.enqueue_indirect_dma source(%dma_start3A_103 : memref<10000x128xf32, #tpu.memory_space<hbm>>) target(%arg9 : memref<128x128xf32, #tpu.memory_space<vmem>>) offsets(%dma_start3A_100 : memref<128xi32, #tpu.memory_space<vmem>>) semaphore(%arg12 : memref<!tpu.dma_semaphore, #tpu.memory_space<semaphore_mem>>)
      %add3A_104 = arith.constant 1 : i32
      %add3A_105 = arith.addi %mul3A_89, %add3A_104 : i32
      %dma_wait3A_106 = arith.constant 0 : i32
      %dma_wait3A_107 = tpu.memref_slice %arg7[%add3A_105, %dma_wait3A_106] : memref<40x128xi32, #tpu.memory_space<vmem>> -> memref<1x128xi32, #tpu.memory_space<vmem>>
      %dma_wait3A_108 = tpu.memref_squeeze %dma_wait3A_107 : memref<1x128xi32, #tpu.memory_space<vmem>> -> memref<128xi32, #tpu.memory_space<vmem>>
      %dma_wait3A_109 = arith.constant 0 : i32
      %dma_wait3A_110 = arith.constant 0 : i32
      %dma_wait3A_111 = tpu.memref_slice %arg2[%dma_wait3A_109, %dma_wait3A_110] : memref<10000x128xf32, #tpu.memory_space<hbm>> -> memref<10000x128xf32, #tpu.memory_space<hbm>>
      tpu.wait_indirect_dma semaphore(%arg13 : memref<!tpu.dma_semaphore, #tpu.memory_space<semaphore_mem>>) src(%dma_wait3A_111 : memref<10000x128xf32, #tpu.memory_space<hbm>>) dst(%arg10 : memref<128x128xf32, #tpu.memory_space<vmem>>)
      %add3A_112 = arith.constant 1 : i32
      %add3A_113 = arith.addi %mul3A_89, %add3A_112 : i32
      "tpu.region"() ({
        %run_scoped3A_122 = tpu.sem_alloc : memref<!tpu.dma_semaphore, #tpu.memory_space<semaphore_mem>>
        %dma_start3A_123 = arith.constant 0 : i32
        %dma_start3A_124 = tpu.memref_slice %arg8[%add3A_113, %dma_start3A_123] : memref<40x128xi32, #tpu.memory_space<vmem>> -> memref<1x128xi32, #tpu.memory_space<vmem>>
        %dma_start3A_125 = tpu.memref_squeeze %dma_start3A_124 : memref<1x128xi32, #tpu.memory_space<vmem>> -> memref<128xi32, #tpu.memory_space<vmem>>
        %dma_start3A_126 = arith.constant 0 : i32
        %dma_start3A_127 = arith.constant 0 : i32
        %dma_start3A_128 = tpu.memref_slice %arg11[%dma_start3A_126, %dma_start3A_127] : memref<10240x128xf32, #tpu.memory_space<vmem_shared>> -> memref<10240x128xf32, #tpu.memory_space<vmem_shared>>
        tpu.enqueue_indirect_dma source(%arg10 : memref<128x128xf32, #tpu.memory_space<vmem>>) target(%dma_start3A_128 : memref<10240x128xf32, #tpu.memory_space<vmem_shared>>) offsets(%dma_start3A_125 : memref<128xi32, #tpu.memory_space<vmem>>) semaphore(%run_scoped3A_122 : memref<!tpu.dma_semaphore, #tpu.memory_space<semaphore_mem>>) {add = true}
        %dma_wait3A_129 = arith.constant 0 : i32
        %dma_wait3A_130 = tpu.memref_slice %arg8[%add3A_113, %dma_wait3A_129] : memref<40x128xi32, #tpu.memory_space<vmem>> -> memref<1x128xi32, #tpu.memory_space<vmem>>
        %dma_wait3A_131 = tpu.memref_squeeze %dma_wait3A_130 : memref<1x128xi32, #tpu.memory_space<vmem>> -> memref<128xi32, #tpu.memory_space<vmem>>
        %dma_wait3A_132 = arith.constant 0 : i32
        %dma_wait3A_133 = arith.constant 0 : i32
        %dma_wait3A_134 = tpu.memref_slice %arg11[%dma_wait3A_132, %dma_wait3A_133] : memref<10240x128xf32, #tpu.memory_space<vmem_shared>> -> memref<10240x128xf32, #tpu.memory_space<vmem_shared>>
        tpu.wait_indirect_dma semaphore(%run_scoped3A_122 : memref<!tpu.dma_semaphore, #tpu.memory_space<semaphore_mem>>) src(%arg10 : memref<128x128xf32, #tpu.memory_space<vmem>>) dst(%dma_wait3A_134 : memref<10240x128xf32, #tpu.memory_space<vmem_shared>>)
        tpu.yield
      }) : () -> ()
      %add3A_114 = arith.constant 3 : i32
      %add3A_115 = arith.addi %mul3A_89, %add3A_114 : i32
      %dma_start3A_116 = arith.constant 0 : i32
      %dma_start3A_117 = tpu.memref_slice %arg7[%add3A_115, %dma_start3A_116] : memref<40x128xi32, #tpu.memory_space<vmem>> -> memref<1x128xi32, #tpu.memory_space<vmem>>
      %dma_start3A_118 = tpu.memref_squeeze %dma_start3A_117 : memref<1x128xi32, #tpu.memory_space<vmem>> -> memref<128xi32, #tpu.memory_space<vmem>>
      %dma_start3A_119 = arith.constant 0 : i32
      %dma_start3A_120 = arith.constant 0 : i32
      %dma_start3A_121 = tpu.memref_slice %arg2[%dma_start3A_119, %dma_start3A_120] : memref<10000x128xf32, #tpu.memory_space<hbm>> -> memref<10000x128xf32, #tpu.memory_space<hbm>>
      tpu.enqueue_indirect_dma source(%dma_start3A_121 : memref<10000x128xf32, #tpu.memory_space<hbm>>) target(%arg10 : memref<128x128xf32, #tpu.memory_space<vmem>>) offsets(%dma_start3A_118 : memref<128xi32, #tpu.memory_space<vmem>>) semaphore(%arg13 : memref<!tpu.dma_semaphore, #tpu.memory_space<semaphore_mem>>)
    }
    %scan3A_62 = arith.constant 19 : i32
    %dma_wait3A_63 = arith.constant 38 : i32
    %dma_wait3A_64 = arith.constant 0 : i32
    %dma_wait3A_65 = tpu.memref_slice %arg7[%dma_wait3A_63, %dma_wait3A_64] : memref<40x128xi32, #tpu.memory_space<vmem>> -> memref<1x128xi32, #tpu.memory_space<vmem>>
    %dma_wait3A_66 = tpu.memref_squeeze %dma_wait3A_65 : memref<1x128xi32, #tpu.memory_space<vmem>> -> memref<128xi32, #tpu.memory_space<vmem>>
    %dma_wait3A_67 = arith.constant 0 : i32
    %dma_wait3A_68 = arith.constant 0 : i32
    %dma_wait3A_69 = tpu.memref_slice %arg2[%dma_wait3A_67, %dma_wait3A_68] : memref<10000x128xf32, #tpu.memory_space<hbm>> -> memref<10000x128xf32, #tpu.memory_space<hbm>>
    tpu.wait_indirect_dma semaphore(%arg12 : memref<!tpu.dma_semaphore, #tpu.memory_space<semaphore_mem>>) src(%dma_wait3A_69 : memref<10000x128xf32, #tpu.memory_space<hbm>>) dst(%arg9 : memref<128x128xf32, #tpu.memory_space<vmem>>)
    %run_scoped3A_70 = arith.constant 38 : i32
    "tpu.region"() ({
      %run_scoped3A_87 = tpu.sem_alloc : memref<!tpu.dma_semaphore, #tpu.memory_space<semaphore_mem>>
      %dma_start3A_88 = arith.constant 0 : i32
      %dma_start3A_89 = tpu.memref_slice %arg8[%run_scoped3A_70, %dma_start3A_88] : memref<40x128xi32, #tpu.memory_space<vmem>> -> memref<1x128xi32, #tpu.memory_space<vmem>>
      %dma_start3A_90 = tpu.memref_squeeze %dma_start3A_89 : memref<1x128xi32, #tpu.memory_space<vmem>> -> memref<128xi32, #tpu.memory_space<vmem>>
      %dma_start3A_91 = arith.constant 0 : i32
      %dma_start3A_92 = arith.constant 0 : i32
      %dma_start3A_93 = tpu.memref_slice %arg11[%dma_start3A_91, %dma_start3A_92] : memref<10240x128xf32, #tpu.memory_space<vmem_shared>> -> memref<10240x128xf32, #tpu.memory_space<vmem_shared>>
      tpu.enqueue_indirect_dma source(%arg9 : memref<128x128xf32, #tpu.memory_space<vmem>>) target(%dma_start3A_93 : memref<10240x128xf32, #tpu.memory_space<vmem_shared>>) offsets(%dma_start3A_90 : memref<128xi32, #tpu.memory_space<vmem>>) semaphore(%run_scoped3A_87 : memref<!tpu.dma_semaphore, #tpu.memory_space<semaphore_mem>>) {add = true}
      %dma_wait3A_94 = arith.constant 0 : i32
      %dma_wait3A_95 = tpu.memref_slice %arg8[%run_scoped3A_70, %dma_wait3A_94] : memref<40x128xi32, #tpu.memory_space<vmem>> -> memref<1x128xi32, #tpu.memory_space<vmem>>
      %dma_wait3A_96 = tpu.memref_squeeze %dma_wait3A_95 : memref<1x128xi32, #tpu.memory_space<vmem>> -> memref<128xi32, #tpu.memory_space<vmem>>
      %dma_wait3A_97 = arith.constant 0 : i32
      %dma_wait3A_98 = arith.constant 0 : i32
      %dma_wait3A_99 = tpu.memref_slice %arg11[%dma_wait3A_97, %dma_wait3A_98] : memref<10240x128xf32, #tpu.memory_space<vmem_shared>> -> memref<10240x128xf32, #tpu.memory_space<vmem_shared>>
      tpu.wait_indirect_dma semaphore(%run_scoped3A_87 : memref<!tpu.dma_semaphore, #tpu.memory_space<semaphore_mem>>) src(%arg9 : memref<128x128xf32, #tpu.memory_space<vmem>>) dst(%dma_wait3A_99 : memref<10240x128xf32, #tpu.memory_space<vmem_shared>>)
      tpu.yield
    }) : () -> ()
    %dma_wait3A_71 = arith.constant 39 : i32
    %dma_wait3A_72 = arith.constant 0 : i32
    %dma_wait3A_73 = tpu.memref_slice %arg7[%dma_wait3A_71, %dma_wait3A_72] : memref<40x128xi32, #tpu.memory_space<vmem>> -> memref<1x128xi32, #tpu.memory_space<vmem>>
    %dma_wait3A_74 = tpu.memref_squeeze %dma_wait3A_73 : memref<1x128xi32, #tpu.memory_space<vmem>> -> memref<128xi32, #tpu.memory_space<vmem>>
    %dma_wait3A_75 = arith.constant 0 : i32
    %dma_wait3A_76 = arith.constant 0 : i32
    %dma_wait3A_77 = tpu.memref_slice %arg2[%dma_wait3A_75, %dma_wait3A_76] : memref<10000x128xf32, #tpu.memory_space<hbm>> -> memref<10000x128xf32, #tpu.memory_space<hbm>>
    tpu.wait_indirect_dma semaphore(%arg13 : memref<!tpu.dma_semaphore, #tpu.memory_space<semaphore_mem>>) src(%dma_wait3A_77 : memref<10000x128xf32, #tpu.memory_space<hbm>>) dst(%arg10 : memref<128x128xf32, #tpu.memory_space<vmem>>)
    %run_scoped3A_78 = arith.constant 39 : i32
    "tpu.region"() ({
      %run_scoped3A_87 = tpu.sem_alloc : memref<!tpu.dma_semaphore, #tpu.memory_space<semaphore_mem>>
      %dma_start3A_88 = arith.constant 0 : i32
      %dma_start3A_89 = tpu.memref_slice %arg8[%run_scoped3A_78, %dma_start3A_88] : memref<40x128xi32, #tpu.memory_space<vmem>> -> memref<1x128xi32, #tpu.memory_space<vmem>>
      %dma_start3A_90 = tpu.memref_squeeze %dma_start3A_89 : memref<1x128xi32, #tpu.memory_space<vmem>> -> memref<128xi32, #tpu.memory_space<vmem>>
      %dma_start3A_91 = arith.constant 0 : i32
      %dma_start3A_92 = arith.constant 0 : i32
      %dma_start3A_93 = tpu.memref_slice %arg11[%dma_start3A_91, %dma_start3A_92] : memref<10240x128xf32, #tpu.memory_space<vmem_shared>> -> memref<10240x128xf32, #tpu.memory_space<vmem_shared>>
      tpu.enqueue_indirect_dma source(%arg10 : memref<128x128xf32, #tpu.memory_space<vmem>>) target(%dma_start3A_93 : memref<10240x128xf32, #tpu.memory_space<vmem_shared>>) offsets(%dma_start3A_90 : memref<128xi32, #tpu.memory_space<vmem>>) semaphore(%run_scoped3A_87 : memref<!tpu.dma_semaphore, #tpu.memory_space<semaphore_mem>>) {add = true}
      %dma_wait3A_94 = arith.constant 0 : i32
      %dma_wait3A_95 = tpu.memref_slice %arg8[%run_scoped3A_78, %dma_wait3A_94] : memref<40x128xi32, #tpu.memory_space<vmem>> -> memref<1x128xi32, #tpu.memory_space<vmem>>
      %dma_wait3A_96 = tpu.memref_squeeze %dma_wait3A_95 : memref<1x128xi32, #tpu.memory_space<vmem>> -> memref<128xi32, #tpu.memory_space<vmem>>
      %dma_wait3A_97 = arith.constant 0 : i32
      %dma_wait3A_98 = arith.constant 0 : i32
      %dma_wait3A_99 = tpu.memref_slice %arg11[%dma_wait3A_97, %dma_wait3A_98] : memref<10240x128xf32, #tpu.memory_space<vmem_shared>> -> memref<10240x128xf32, #tpu.memory_space<vmem_shared>>
      tpu.wait_indirect_dma semaphore(%run_scoped3A_87 : memref<!tpu.dma_semaphore, #tpu.memory_space<semaphore_mem>>) src(%arg10 : memref<128x128xf32, #tpu.memory_space<vmem>>) dst(%dma_wait3A_99 : memref<10240x128xf32, #tpu.memory_space<vmem_shared>>)
      tpu.yield
    }) : () -> ()
    %barrier3A_79 = arith.constant 0 : index
    tpu.barrier barrier_id(%barrier3A_79)
    %mul3A_80 = arith.constant 640 : i32
    %mul3A_81 = arith.muli %arg1, %mul3A_80 : i32
    %mul3A_82 = arith.constant 10240 : i32
    %mul3A_83 = arith.muli %arg0, %mul3A_82 : i32
    %mul3A_84 = arith.constant 640 : i32
    %mul3A_85 = arith.muli %arg1, %mul3A_84 : i32
    %add3A_86 = arith.addi %mul3A_83, %mul3A_85 : i32
    "tpu.region"() ({
      %run_scoped3A_87 = tpu.sem_alloc : memref<!tpu.dma_semaphore, #tpu.memory_space<semaphore_mem>>
      %dma_start3A_88 = arith.constant 0 : i32
      %dma_start3A_89 = tpu.memref_slice %arg6[%add3A_86, %dma_start3A_88] : memref<20480x128xf32, #tpu.memory_space<hbm>> -> memref<640x128xf32, #tpu.memory_space<hbm>>
      %dma_start3A_90 = arith.constant 0 : i32
      %dma_start3A_91 = tpu.memref_slice %arg11[%mul3A_81, %dma_start3A_90] : memref<10240x128xf32, #tpu.memory_space<vmem_shared>> -> memref<640x128xf32, #tpu.memory_space<vmem_shared>>
      tpu.enqueue_dma source(%dma_start3A_91 : memref<640x128xf32, #tpu.memory_space<vmem_shared>>) target(%dma_start3A_89 : memref<640x128xf32, #tpu.memory_space<hbm>>) target_semaphore(%run_scoped3A_87 : memref<!tpu.dma_semaphore, #tpu.memory_space<semaphore_mem>>)
      %dma_wait3A_92 = arith.constant 0 : i32
      %dma_wait3A_93 = tpu.memref_slice %arg6[%add3A_86, %dma_wait3A_92] : memref<20480x128xf32, #tpu.memory_space<hbm>> -> memref<640x128xf32, #tpu.memory_space<hbm>>
      %dma_wait3A_94 = arith.constant 0 : i32
      %dma_wait3A_95 = tpu.memref_slice %arg11[%mul3A_81, %dma_wait3A_94] : memref<10240x128xf32, #tpu.memory_space<vmem_shared>> -> memref<640x128xf32, #tpu.memory_space<vmem_shared>>
      tpu.wait_dma2 semaphore(%run_scoped3A_87 : memref<!tpu.dma_semaphore, #tpu.memory_space<semaphore_mem>>) src(%dma_wait3A_95 : memref<640x128xf32, #tpu.memory_space<vmem_shared>>) dst(%dma_wait3A_93 : memref<640x128xf32, #tpu.memory_space<hbm>>)
      tpu.yield
    }) : () -> ()
    return
  }
}

module attributes {stable_mosaic.version = 14 : i64} {
  func.func @_tc_xw_body(%arg0: i32, %arg1: memref<1000x128xf32, #tpu.memory_space<vmem>>, %arg2: memref<128x128xf32, #tpu.memory_space<vmem>>, %arg3: memref<1000x1xf32, #tpu.memory_space<vmem>>, %arg4: memref<1000x1xf32, #tpu.memory_space<vmem>>, %arg5: memref<1000x128xf32, #tpu.memory_space<vmem>>, %arg6: memref<1000x1xf32, #tpu.memory_space<vmem>>) attributes {dimension_semantics = [#tpu.dimension_semantics<arbitrary>], iteration_bounds = array<i64: 10>, scalar_prefetch = 0 : i64, scratch_operands = 0 : i64, tpu.core_type = #tpu.core_type<tc>, window_params = [{transform_indices = @transform_0, window_bounds = array<i64: 1000, 128>}, {pipeline_mode = #tpu.pipeline_mode<synchronous>, transform_indices = @transform_1, window_bounds = array<i64: 128, 128>}, {transform_indices = @transform_2, window_bounds = array<i64: 1000, 1>}, {transform_indices = @transform_3, window_bounds = array<i64: 1000, 1>}, {transform_indices = @transform_4, window_bounds = array<i64: 1000, 128>}, {transform_indices = @transform_5, window_bounds = array<i64: 1000, 1>}]} {
    %get3A = arith.constant 0 : index
    %get3A_0 = arith.constant 0 : index
    %get3A_1 = vector.load %arg3[%get3A, %get3A_0] : memref<1000x1xf32, #tpu.memory_space<vmem>>, vector<1000x1xf32>
    %get3A_2 = arith.constant 0 : index
    %get3A_3 = arith.constant 0 : index
    %get3A_4 = vector.load %arg4[%get3A_2, %get3A_3] : memref<1000x1xf32, #tpu.memory_space<vmem>>, vector<1000x1xf32>
    %add3A = arith.addf %get3A_1, %get3A_4 : vector<1000x1xf32>
    %add3A_5 = arith.constant 1.000000e+00 : f32
    %add3A_6 = vector.broadcast %add3A_5 : f32 to vector<1000x1xf32>
    %add3A_7 = arith.addf %add3A, %add3A_6 : vector<1000x1xf32>
    %rsqrt3A = math.rsqrt %add3A_7 : vector<1000x1xf32>
    %get3A_8 = arith.constant 0 : index
    %get3A_9 = arith.constant 0 : index
    %get3A_10 = vector.load %arg1[%get3A_8, %get3A_9] : memref<1000x128xf32, #tpu.memory_space<vmem>>, vector<1000x128xf32>
    %get3A_11 = arith.constant 0 : index
    %get3A_12 = arith.constant 0 : index
    %get3A_13 = vector.load %arg2[%get3A_11, %get3A_12] : memref<128x128xf32, #tpu.memory_space<vmem>>, vector<128x128xf32>
    %dot_general3A = arith.constant dense<0.000000e+00> : vector<1000x128xf32>
    %dot_general3A_14 = tpu.matmul %get3A_10, %get3A_13, %dot_general3A {dimension_numbers = #tpu.dot_dimension_numbers<[1], [0], [0], [1], [0, 0, 1, 1], [], []>, transpose_lhs_hint = false} : vector<1000x128xf32>, vector<128x128xf32>, vector<1000x128xf32> -> vector<1000x128xf32>
    %mul3A = vector.broadcast %rsqrt3A : vector<1000x1xf32> to vector<1000x128xf32>
    %mul3A_15 = arith.mulf %dot_general3A_14, %mul3A : vector<1000x128xf32>
    %swap3A = arith.constant 0 : index
    %swap3A_16 = arith.constant 0 : index
    %swap3A_17 = vector.load %arg5[%swap3A, %swap3A_16] : memref<1000x128xf32, #tpu.memory_space<vmem>>, vector<1000x128xf32>
    tpu.vector_store %arg5[%swap3A, %swap3A_16], %mul3A_15 {strides = array<i32>} : memref<1000x128xf32, #tpu.memory_space<vmem>>, vector<1000x128xf32>,
    %swap3A_18 = arith.constant 0 : index
    %swap3A_19 = arith.constant 0 : index
    %swap3A_20 = vector.load %arg6[%swap3A_18, %swap3A_19] : memref<1000x1xf32, #tpu.memory_space<vmem>>, vector<1000x1xf32>
    tpu.vector_store %arg6[%swap3A_18, %swap3A_19], %rsqrt3A {strides = array<i32>} : memref<1000x1xf32, #tpu.memory_space<vmem>>, vector<1000x1xf32>,
    return
  }
  func.func @transform_0(%arg0: i32) -> (i32, i32) {
    %c0_i32 = arith.constant 0 : i32
    %c0_i32_0 = arith.constant 0 : i32
    return %arg0, %c0_i32 : i32, i32
  }
  func.func @transform_1(%arg0: i32) -> (i32, i32) {
    %c0_i32 = arith.constant 0 : i32
    %c0_i32_0 = arith.constant 0 : i32
    %c0_i32_1 = arith.constant 0 : i32
    return %c0_i32, %c0_i32_0 : i32, i32
  }
  func.func @transform_2(%arg0: i32) -> (i32, i32) {
    %c0_i32 = arith.constant 0 : i32
    %c0_i32_0 = arith.constant 0 : i32
    return %arg0, %c0_i32 : i32, i32
  }
  func.func @transform_3(%arg0: i32) -> (i32, i32) {
    %c0_i32 = arith.constant 0 : i32
    %c0_i32_0 = arith.constant 0 : i32
    return %arg0, %c0_i32 : i32, i32
  }
  func.func @transform_4(%arg0: i32) -> (i32, i32) {
    %c0_i32 = arith.constant 0 : i32
    %c0_i32_0 = arith.constant 0 : i32
    return %arg0, %c0_i32 : i32, i32
  }
  func.func @transform_5(%arg0: i32) -> (i32, i32) {
    %c0_i32 = arith.constant 0 : i32
    %c0_i32_0 = arith.constant 0 : i32
    return %arg0, %c0_i32 : i32, i32
  }
}

module attributes {stable_mosaic.version = 14 : i64} {
  func.func @_tc_out_body(%arg0: i32, %arg1: memref<2x1000x128xf32, #tpu.memory_space<vmem>>, %arg2: memref<1000x128xf32, #tpu.memory_space<vmem>>, %arg3: memref<1000x1xf32, #tpu.memory_space<vmem>>, %arg4: memref<1x128xf32, #tpu.memory_space<vmem>>, %arg5: memref<1x1xf32, #tpu.memory_space<vmem>>, %arg6: memref<1000x128xf32, #tpu.memory_space<vmem>>) attributes {dimension_semantics = [#tpu.dimension_semantics<arbitrary>], iteration_bounds = array<i64: 10>, scalar_prefetch = 0 : i64, scratch_operands = 0 : i64, tpu.core_type = #tpu.core_type<tc>, window_params = [{transform_indices = @transform_0, window_bounds = array<i64: 2, 1000, 128>}, {transform_indices = @transform_1, window_bounds = array<i64: 1000, 128>}, {transform_indices = @transform_2, window_bounds = array<i64: 1000, 1>}, {pipeline_mode = #tpu.pipeline_mode<synchronous>, transform_indices = @transform_3, window_bounds = array<i64: 1, 128>}, {pipeline_mode = #tpu.pipeline_mode<synchronous>, transform_indices = @transform_4, window_bounds = array<i64: 1, 1>}, {transform_indices = @transform_5, window_bounds = array<i64: 1000, 128>}]} {
    %get3A = arith.constant 0 : index
    %get3A_0 = arith.constant 0 : index
    %get3A_1 = arith.constant 0 : index
    %get3A_2 = vector.load %arg1[%get3A, %get3A_0, %get3A_1] : memref<2x1000x128xf32, #tpu.memory_space<vmem>>, vector<2x1000x128xf32>
    %slice3A = vector.extract_strided_slice %get3A_2 {offsets = [0, 0, 0], sizes = [1, 1000, 128], strides = [1, 1, 1]} : vector<2x1000x128xf32> to vector<1x1000x128xf32>
    %squeeze3A = vector.shape_cast %slice3A : vector<1x1000x128xf32> to vector<1000x128xf32>
    %slice3A_3 = vector.extract_strided_slice %get3A_2 {offsets = [1, 0, 0], sizes = [1, 1000, 128], strides = [1, 1, 1]} : vector<2x1000x128xf32> to vector<1x1000x128xf32>
    %squeeze3A_4 = vector.shape_cast %slice3A_3 : vector<1x1000x128xf32> to vector<1000x128xf32>
    %add3A = arith.addf %squeeze3A, %squeeze3A_4 : vector<1000x128xf32>
    %get3A_5 = arith.constant 0 : index
    %get3A_6 = arith.constant 0 : index
    %get3A_7 = vector.load %arg2[%get3A_5, %get3A_6] : memref<1000x128xf32, #tpu.memory_space<vmem>>, vector<1000x128xf32>
    %add3A_8 = arith.addf %add3A, %get3A_7 : vector<1000x128xf32>
    %get3A_9 = arith.constant 0 : index
    %get3A_10 = arith.constant 0 : index
    %get3A_11 = vector.load %arg3[%get3A_9, %get3A_10] : memref<1000x1xf32, #tpu.memory_space<vmem>>, vector<1000x1xf32>
    %mul3A = vector.broadcast %get3A_11 : vector<1000x1xf32> to vector<1000x128xf32>
    %mul3A_12 = arith.mulf %add3A_8, %mul3A : vector<1000x128xf32>
    %get3A_13 = arith.constant 0 : index
    %get3A_14 = arith.constant 0 : index
    %get3A_15 = vector.load %arg4[%get3A_13, %get3A_14] : memref<1x128xf32, #tpu.memory_space<vmem>>, vector<1x128xf32>
    %add3A_16 = vector.broadcast %get3A_15 : vector<1x128xf32> to vector<1000x128xf32>
    %add3A_17 = arith.addf %mul3A_12, %add3A_16 : vector<1000x128xf32>
    %get3A_18 = arith.constant 0 : index
    %get3A_19 = arith.constant 0 : index
    %get3A_20 = vector.load %arg5[%get3A_18, %get3A_19] : memref<1x1xf32, #tpu.memory_space<vmem>>, vector<1x1xf32>
    %get3A_21 = vector.extract %get3A_20[0, 0] : f32 from vector<1x1xf32>
    %ge3A = arith.constant 0.000000e+00 : f32
    %ge3A_22 = vector.broadcast %ge3A : f32 to vector<1000x128xf32>
    %ge3A_23 = arith.cmpf oge, %add3A_17, %ge3A_22 : vector<1000x128xf32>
    %mul3A_24 = vector.broadcast %get3A_21 : f32 to vector<1000x128xf32>
    %mul3A_25 = arith.mulf %mul3A_24, %add3A_17 : vector<1000x128xf32>
    %select_n3A = arith.select %ge3A_23, %add3A_17, %mul3A_25 : vector<1000x128xi1>, vector<1000x128xf32>
    %swap3A = arith.constant 0 : index
    %swap3A_26 = arith.constant 0 : index
    %swap3A_27 = vector.load %arg6[%swap3A, %swap3A_26] : memref<1000x128xf32, #tpu.memory_space<vmem>>, vector<1000x128xf32>
    tpu.vector_store %arg6[%swap3A, %swap3A_26], %select_n3A {strides = array<i32>} : memref<1000x128xf32, #tpu.memory_space<vmem>>, vector<1000x128xf32>,
    return
  }
  func.func @transform_0(%arg0: i32) -> (i32, i32, i32) {
    %c0_i32 = arith.constant 0 : i32
    %c0_i32_0 = arith.constant 0 : i32
    %c0_i32_1 = arith.constant 0 : i32
    return %c0_i32, %arg0, %c0_i32_0 : i32, i32, i32
  }
  func.func @transform_1(%arg0: i32) -> (i32, i32) {
    %c0_i32 = arith.constant 0 : i32
    %c0_i32_0 = arith.constant 0 : i32
    return %arg0, %c0_i32 : i32, i32
  }
  func.func @transform_2(%arg0: i32) -> (i32, i32) {
    %c0_i32 = arith.constant 0 : i32
    %c0_i32_0 = arith.constant 0 : i32
    return %arg0, %c0_i32 : i32, i32
  }
  func.func @transform_3(%arg0: i32) -> (i32, i32) {
    %c0_i32 = arith.constant 0 : i32
    %c0_i32_0 = arith.constant 0 : i32
    %c0_i32_1 = arith.constant 0 : i32
    return %c0_i32, %c0_i32_0 : i32, i32
  }
  func.func @transform_4(%arg0: i32) -> (i32, i32) {
    %c0_i32 = arith.constant 0 : i32
    %c0_i32_0 = arith.constant 0 : i32
    %c0_i32_1 = arith.constant 0 : i32
    return %c0_i32, %c0_i32_0 : i32, i32
  }
  func.func @transform_5(%arg0: i32) -> (i32, i32) {
    %c0_i32 = arith.constant 0 : i32
    %c0_i32_0 = arith.constant 0 : i32
    return %arg0, %c0_i32 : i32, i32
  }
}

</mosaic_0001>

<sc_bundles>
// kernel: kernel.6.cloned.1.call-start
scs
__scs_entry_jumppad:
0x0: {  	(pc) =	sbr.rel $0x88, $3  }
0x1: {  	(tag) =	ssettag $0x0;
	lr =	simm.s32 $0x1  }
0x2: {  	[smem:$0x3F9C] =	sst lr;
	_ =	strace $0xD0000000  }
0x3: {  	_ = 	snop  }
0x4: {  	_ = 	snop  }
0x5: {  	_ = 	snop  }
0x6: {  	_ = 	snop  }
0x7: {  	_ = 	snop  }
__scs_overlays_trampoline_lowered:
0x8: {  	[smem:$0x3FAB] =	sst s0  }
0x9: {  	[smem:$0x3FAC] =	sst s1  }
0xa: {  	[smem:$0x3FAD] =	sst s2  }
0xb: {  	[smem:$0x3FAE] =	sst s3  }
0xc: {  	[smem:$0x3FAF] =	sst s4  }
0xd: {  	[smem:$0x3FB0] =	sst s5  }
0xe: {  	[smem:$0x3FB1] =	sst s6  }
0xf: {  	[smem:$0x3FB2] =	sst s7  }
0x10: {  	[smem:$0x3FB3] =	sst s8  }
0x11: {  	[smem:$0x3FB4] =	sst s9;
	s0 =	simm.s32 @!p0 $0x0  }
0x12: {  	s1 =	sld [smem:$0x3F9A];
	s0 =	simm.s32 @p0 $0x1  }
0x13: {  	[smem:$0x3FB5] =	sst s0;
	s0 =	simm.s32 @!p1 $0x0  }
0x14: {  	s2 =	sld [smem:$0x3F99];
	s0 =	simm.s32 @p1 $0x1  }
0x15: {  	[smem:$0x3FB6] =	sst s0;
	s0 =	simm.s32 @!p2 $0x0  }
0x16: {  	s3 =	sld [smem:$0x3FDB];
	s0 =	simm.s32 @p2 $0x1  }
0x17: {  	s4 =	simm.s32 $0x1BF5;
	[smem:$0x3FB8] =	sst s0  }
0x18: {  	s0 =	sld [smem:$0x3F9B];
	_ =	swait.ge [sflag:s4], $0x0  }
0x19: {  	s7 =	sld [smem:$0x3F9C]  }
0x1a: {  	s8 =	sadd.s32 $0xFFFFE003, lr  }
0x1b: {  	s9 =	sadd.s32 $0xFFFFFEF7, lr;
	s5 =	simm.s32 $0xFFFFFFFF;
	p2 =	slt.u32 s8, $0xFFFFF086  }
0x1c: {  	p1 =	slt.u32 s9, $0xF7A;
	s5 =	simm.s32 @!p2 $0x0  }
0x1d: {  	s5 =	simm.s32 @p1 $0x1;
	p0 =	seq.s32 s7, s2  }
0x1e: {  	s7 =	smul.u32 @!p0 $0xF7A, s2;
	p2 =	seq.s32 @!p0 s5, $0x0  }
0x1f: {  	s9 =	smul.u32 $0xF7A, s1;
	s8 =	simm.s32 @!p0 $0x1BF5;
	p2 =	por !p2, p0  }
0x20: {  	[sflag:s8] =	ssyncset.s32 @!p0 $0xFFFFF086;
	s6 =	sadd.s32 @!p0 s3, s7;
	s7 =	simm.s32 @!p0 $0x108  }
0x21: {  	s3 =	sadd.s32 s3, s9;
	s6 =	sadd.s32 @!p0 $0x88, s6;
	s7 =	simm.s32 @p2 $0x1082  }
0x22: {  	[simem:s7], [sflag:s8] =	dma.local @!p0 [hbm:s6], $0xF7A  }
0x23: {  	s9 =	sor.u32 $0xD0000000, s2;
	s6 =	simm.s32 $0x108;
	_ =	swait.ge @!p0 [sflag:s8], $0x0  }
0x24: {  	s3 =	sadd.s32 $0x88, s3;
	s6 =	simm.s32 @!p1 $0x1082;
	[sflag:s4] =	ssyncset.s32 $0xFFFFF086  }
0x25: {  	[simem:s6], [sflag:s4] =	dma.local [hbm:s3], $0xF7A  }
0x26: {  	[smem:$0x3F9C] =	sst s1;
	(tag) =	ssettag s2;
	_ =	strace s9  }
0x27: {  	s1 =	sld [smem:$0x3FAC]  }
0x28: {  	s2 =	sld [smem:$0x3FAD]  }
0x29: {  	s4 =	sld [smem:$0x3FAF]  }
0x2a: {  	p0 =	seq.s32 s5, $0x0;
	s5 =	sld [smem:$0x3FB0]  }
0x2b: {  	s6 =	sld [smem:$0x3FB1]  }
0x2c: {  	s7 =	sld [smem:$0x3FB2]  }
0x2d: {  	s3 =	simm.s32 $0x108;
	s8 =	sld [smem:$0x3FB3]  }
0x2e: {  	s3 =	simm.s32 @!p0 $0x1082;
	s9 =	sld [smem:$0x3FB4]  }
0x2f: {  	lr =	sadd.s32 s0, s3;
	s0 =	sld [smem:$0x3FAB]  }
0x30: {  	s3 =	sld [smem:$0x3FAE]  }
0x31: {  	[smem:$0x3FB7] =	sst s10  }
0x32: {  	s10 =	sld [smem:$0x3FB5];
	_ =	sdelay $0x3  }
0x33: {  	p0 =	seq.s32 s10, $0x1;
	s10 =	sld [smem:$0x3FB7];
	_ =	sdelay $0x3  }
0x34: {  	[smem:$0x3FB7] =	sst s10  }
0x35: {  	s10 =	sld [smem:$0x3FB6];
	_ =	sdelay $0x3  }
0x36: {  	p1 =	seq.s32 s10, $0x1;
	s10 =	sld [smem:$0x3FB7];
	_ =	sdelay $0x3  }
0x37: {  	[smem:$0x3FB7] =	sst s10  }
0x38: {  	s10 =	sld [smem:$0x3FB8]  }
0x39: {  	_ = 	snop;
	(pc) =	sbr.ind lr, $3  }
0x3a: {  	_ = 	snop  }
0x3b: {  	_ = 	snop  }
0x3c: {  	p2 =	seq.s32 s10, $0x1;
	s10 =	sld [smem:$0x3FB7]  }
0x3d: {  	_ =	shalt  }
0x3e: {  	_ =	shalt  }
0x3f: {  	_ =	shalt  }
0x40: {  	_ =	shalt  }
0x41: {  	_ =	shalt  }
0x42: {  	_ =	shalt  }
0x43: {  	_ =	shalt  }
0x44: {  	_ =	shalt  }
0x45: {  	_ =	shalt  }
0x46: {  	_ =	shalt  }
0x47: {  	_ =	shalt  }
0x48: {  	_ =	shalt  }
0x49: {  	_ =	shalt  }
0x4a: {  	_ =	shalt  }
0x4b: {  	_ =	shalt  }
0x4c: {  	_ =	shalt  }
0x4d: {  	_ =	shalt  }
0x4e: {  	_ =	shalt  }
0x4f: {  	_ =	shalt  }
0x50: {  	_ =	shalt  }
0x51: {  	_ =	shalt  }
0x52: {  	_ =	shalt  }
0x53: {  	_ =	shalt  }
0x54: {  	_ =	shalt  }
0x55: {  	_ =	shalt  }
0x56: {  	_ =	shalt  }
0x57: {  	_ =	shalt  }
0x58: {  	_ =	shalt  }
0x59: {  	_ =	shalt  }
0x5a: {  	_ =	shalt  }
0x5b: {  	_ =	shalt  }
0x5c: {  	_ =	shalt  }
0x5d: {  	_ =	shalt  }
0x5e: {  	_ =	shalt  }
0x5f: {  	_ =	shalt  }
0x60: {  	_ =	shalt  }
0x61: {  	_ =	shalt  }
0x62: {  	_ =	shalt  }
0x63: {  	_ =	shalt  }
0x64: {  	_ =	shalt  }
0x65: {  	_ =	shalt  }
0x66: {  	_ =	shalt  }
0x67: {  	_ =	shalt  }
0x68: {  	_ =	shalt  }
0x69: {  	_ =	shalt  }
0x6a: {  	_ =	shalt  }
0x6b: {  	_ =	shalt  }
0x6c: {  	_ =	shalt  }
0x6d: {  	_ =	shalt  }
0x6e: {  	_ =	shalt  }
0x6f: {  	_ =	shalt  }
0x70: {  	_ =	shalt  }
0x71: {  	_ =	shalt  }
0x72: {  	_ =	shalt  }
0x73: {  	_ =	shalt  }
0x74: {  	_ =	shalt  }
0x75: {  	_ =	shalt  }
0x76: {  	_ =	shalt  }
0x77: {  	_ =	shalt  }
0x78: {  	_ =	shalt  }
0x79: {  	_ =	shalt  }
0x7a: {  	_ =	shalt  }
0x7b: {  	_ =	shalt  }
0x7c: {  	_ =	shalt  }
0x7d: {  	_ =	shalt  }
0x7e: {  	_ =	shalt  }
0x7f: {  	_ =	shalt  }
0x80: {  	_ =	shalt  }
0x81: {  	_ =	shalt  }
0x82: {  	_ =	shalt  }
0x83: {  	_ =	shalt  }
0x84: {  	_ =	shalt  }
0x85: {  	_ =	shalt  }
0x86: {  	_ =	shalt  }
0x87: {  	_ =	shalt  }
.Lfunc_end0:
.L_simem_size_0:
called_computation_lowered:
.L_overlay_start_0:
0x88: {  	s2 =	sld [smem:$0x3FD9]  }
0x89: {  	s3 =	sld [smem:$0x3FFE];
	_ =	sdelay $0x1  }
0x8a: {  	s1 =	srdreg.scid  }
0x8b: {  	s0 =	sand.u32 $0x1, s1  }
0x8c: {  	s17 =	sshll.u32 s0, $0xA;
	s2 =	sadd.s32 s3, s2  }
0x8d: {  	s2 =	sadd.s32 s2, s17  }
0x8e: {  	[smem:$0x3FC3] =	sst s2  }
0x8f: {  	_ = 	snop  }
0x90: {  	s2 =	sld [smem:$0x3FD0];
	(tm) =	ssettm $0x1  }
0x91: {  	s18 =	sld [smem:$0x3FFB];
	_ =	sdelay $0x3  }
0x92: {  	_ =	strace s18  }
0x93: {  	s3 =	sld [smem:$0x3FFC];
	_ =	sdelay $0x3  }
0x94: {  	_ =	strace s3  }
0x95: {  	s3 =	sld [smem:$0x3FFD];
	_ =	sdelay $0x3  }
0x96: {  	_ =	strace s3  }
0x97: {  	_ =	strace $0x8FFFFFFF  }
0x98: {  	s19 =	sld [smem:$0x3FDB];
	_ =	sdelay $0x1  }
0x99: {  	s4 =	simm.s32 $_scs_section_size  }
0x9a: {  	s5 =	simm.s32 $_size__tile_overlayer_lowered;
	s6 =	simm.s32 $_tile_overlayer_lowered  }
0x9b: {  	s22 =	simm.s32 $0x1BFF;
	s21 =	sshll.u32 s6, $0x1;
	s3 =	sadd.s32 s4, s19  }
0x9c: {  	s7 =	simm.s32 $0x0;
	s20 =	sshll.u32 s5, $0x1;
	s5 =	sadd.s32 s21, s3  }
0x9d: {  	[timem:s7], [sflag:s22] =	dma.local [hbm:s5], s20  }
0x9e: {  	_ =	swait.ge [sflag:s22], s20  }
0x9f: {  	s4 =	ssub.s32 $0x0, s20;
	[sflag:s22] =	ssyncset.done $0x0  }
0xa0: {  	[sflag:s22] =	ssyncadd.s32 s4;
	_ =	sdelay $0x1  }
0xa1: {  	s23 =	simm.s32 $0x1B8B  }
0xa2: {  	_ =	swait.ge [sflag:s23], $0x1  }
0xa3: {  	[sflag:s23] =	ssyncset.done $0x0  }
0xa4: {  	s25 =	simm.s32 $0x1B8E;
	s24 =	sld [smem:$0x3FFE];
	[sflag:s23] =	ssyncadd.s32 $0xFFFFFFFF  }
0xa5: {  	s26 =	simm.s32 $execute0_lowered;
	[smem:$0x3FD2] =	sst s25  }
0xa6: {  	s5 =	sshll.u32 s26, $0x1;
	_ =	strace $0x80000046;
	[dreg:$0x1] =	wrdreg $0xFFFFFFFF  }
0xa7: {  	s28 =	simm.s32 $_size_execute0_lowered;
	s3 =	sadd.s32 s3, s5;
	[dreg:$0x0] =	wrdreg $0x0  }
0xa8: {  	s5 =	sshll.u32 s28, $0x1;
	[dreg:$0x2] =	wrdreg s3  }
0xa9: {  	[dreg:$0x3] =	wrdreg s5  }
0xaa: {  	[dreg:$0x4] =	wrdreg $0xC0  }
0xab: {  	_ =	task [dreg:s7], $0x5FFFF  }
0xac: {  	[dreg:$0x1] =	wrdreg $0xFFFFFFFF  }
0xad: {  	[dreg:$0x0] =	wrdreg $0x60  }
0xae: {  	[dreg:$0x2] =	wrdreg s24  }
0xaf: {  	[dreg:$0x3] =	wrdreg s2  }
0xb0: {  	[dreg:$0x4] =	wrdreg $0x28800  }
0xb1: {  	[dreg:$0x5] =	wrdreg $0x9  }
0xb2: {  	_ =	task.clear_ibuf [dreg:s7], $0x6FFFF;
	_ =	strace $0x90000046  }
0xb3: {  	s29 =	simm.s32 $0x9;
	_ =	strace $0x80000048  }
0xb4: {  	_ =	swait.ge [sflag:s29], $0x1  }
0xb5: {  	[sflag:s29] =	ssyncadd.s32 $0xFFFFFFFF  }
0xb6: {  	_ =	strace $0x90000048  }
0xb7: {  	_ =	sfence  }
0xb8: {  	s30 =	sld [smem:$0x0];
	_ =	sdelay $0x2  }
0xb9: {  	s31 =	sshll.u32 s1, $0xD;
	s1 =	sshrl.u32 s1, $0x2  }
0xba: {  	s3 =	sand.u32 $0x4000, s31;
	s1 =	sadd.s32 s1, s30  }
0xbb: {  	s0 =	sor.u32 s3, s0;
	s1 =	sshll.u32 s1, $0x11  }
0xbc: {  	s0 =	sor.u32 s1, s0  }
0xbd: {  	s0 =	sadd.s32 $0x8F2B, s0  }
0xbe: {  	[sflag:s0] =	ssyncadd.remote.s32 $0x1  }
0xbf: {  	_ =	sfence.sel $0xFFFF  }
0xc0: {  	[dreg:$0x0] =	wrdreg $0xFFFFFFFF;
	(pc) =	sbr.abs _section_cstart, $3  }
0xc1: {  	[dreg:$0x1] =	wrdreg $0xFFFFFFFF  }
0xc2: {  	_ =	task.clear_ibuf [dreg:s7], $0x2FFFF;
	_ =	strace $0x9FFFFFFF  }
0xc3: {  	(tm) =	ssettm $0x7FFFFFFF  }
tec
execute0_lowered:
.L_overlay_start_1:
0x0: {  	(tag) =	ssettag $0x1  }
0x1: {  	s3 =	rddreg [dreg:$0x0]  }
0x2: {  	s0 =	srdreg.scid;
	s5 =	rddreg [dreg:$0x1]  }
0x3: {  	s12 =	stileid.u32;
	s1 =	rddreg [dreg:$0x2];
	s2 =	simm.s32 $0x0  }
0x4: {  	s10 =	simm.s32 $0x2800;
	s11 =	simm.s32 $0x1;
	s14 =	simm.s32 $0x0  }
0x5: {  	s4 =	sand.u32 $0x1, s0;
	s31 =	sshll.u32 s12, $0x1;
	[smem:$0x7FF] =	sst s2  }
0x6: {  	s8 =	smul.u32 $0x280, s12;
	p0 =	sne.s32 s12, $0x0;
	s12 =	sshll.u32 s12, $0x6  }
0x7: {  	s0 =	sor.u32 s4, s31;
	s7 =	smul.u32 $0x2800, s4;
	s4 =	ssub.s32 $0x2, s4  }
0x8: {  	s12 =	sor.u32 $0x1C02, s12;
	s6 =	smul.u32 $0x500, s0;
	s0 =	rddreg [dreg:$0x3]  }
0x9: {  	_ =	strace $0x80000047;
	s9 =	sshrl.u32 s4, $0x1;
	s13 =	sadd.s32 s8, s1  }
0xa: {  	s7 =	sadd.s32 s8, s7;
	s9 =	ssub.s32 s4, s9;
	s8 =	simm.s32 $0x2  }
0xb: {  	s13 =	sshrl.u32 s13, $0x3;
	s6 =	sadd.s32 s6, s3;
	s7 =	sshrl.u32 s7, $0x3  }
0xc: {  	s3 =	sadd.s32 $0x15E00, s3;
	s4 =	sadd.s32 $0x1E00, s6;
	s5 =	sadd.s32 s5, s7  }
0xd: {  	v0 =	vimm.f32 $1.000000000e+00;
	s6 =	smax.u32 s9, $0x1;
	s7 =	sshrl.u32 @!p0 s1, $0x3;
	s9 =	simm.s32 $0x80  }
.LBB2_1:
0xe: {  	s15 =	simm.s32 @!p0 $0x1C02  }
0xf: {  	[spmem:s7], [sflag:s15] =	dma.local @!p0 [hbm:s3], $0x500  }
0x10: {  	s15 =	simm.s32 @!p0 $0x2  }
0x11: {  	_ =	swait.ge @!p0 [sflag:s15], $0x500  }
0x12: {  	[sflag:s15] =	ssyncset.done @!p0 $0x0  }
0x13: {  	[sflag:s15] =	ssyncadd.s32 @!p0 $0xFFFFFB00  }
0x14: {  	[tilespmem:$0x2800] =	vst v0  }
0x15: {  	[tilespmem:$0x2810] =	vst v0  }
0x16: {  	[tilespmem:$0x2820] =	vst v0  }
0x17: {  	[tilespmem:$0x2830] =	vst v0  }
0x18: {  	[tilespmem:$0x2840] =	vst v0  }
0x19: {  	[tilespmem:$0x2850] =	vst v0  }
0x1a: {  	[tilespmem:$0x2860] =	vst v0  }
0x1b: {  	[tilespmem:$0x2870] =	vst v0  }
0x1c: {  	[tilespmem:s2], [sflag:$0x2] =	stream.linear.gather [hbm4b:s4+s2], $0x2800, $0x38;
	[tilespmem:$0x2B00] =	vst v63  }
0x1d: {  	_ =	swait.ge [sflag:s8], $0x2800  }
0x1e: {  	[sflag:s8] =	ssyncset.done $0x0  }
0x1f: {  	[sflag:s8] =	ssyncadd.s32 $0xFFFFD800  }
0x20: {  	s15 =	simm.s32 $0x0;
	[bflag:$0x0] =	sbarrier.arrive $0xFFFF  }
.LBB2_2:
0x21: {  	p1 =	sne.s32 s15, $0x9E00  }
.Ltmp0:
0x22: {  	_ = 	snop;
	(pc) =	sbr.rel @p1 .LBB2_2-.Ltmp0, $3  }
0x23: {  	_ =	sdelay $0x1  }
0x24: {  	s16 =	sshra.s32 s15, $0x2;
	s15 =	sadd.s32 $0x200, s15  }
0x25: {  	[spmem:s1] =	stream.indirect.scatter.add.f32 [tilespmem:s10], [sflag:$0x1], $0x1, s16, s9, $0xb8;
	[tilespmem:$0x2B00] =	vst v63  }
0x26: {  	_ =	swait.ge [sflag:s11], $0x80  }
0x27: {  	s15 =	simm.s32 $0x4F;
	[sflag:s11] =	ssyncset.done $0x0  }
.LBB2_4:
0x28: {  	p1 =	sne.s32 s15, $0x1;
	s15 =	sadd.s32 $0xFFFFFFFF, s15;
	[sflag:s11] =	ssyncadd.s32 $0xFFFFFF80  }
.Ltmp1:
0x29: {  	(pc) =	sbr.rel @p1 .LBB2_4-.Ltmp1, $3  }
0x2a: {  	_ =	sdelay $0x1  }
0x2b: {  	_ =	swait.ge [sflag:s11], $0x80  }
0x2c: {  	[sflag:s11] =	ssyncset.done $0x0  }
0x2d: {  	s14 =	sadd.s32 $0x1, s14  }
0x2e: {  	[sflag:s11] =	ssyncadd.s32 $0xFFFFFF80;
	p1 =	sne.s32 s14, s6  }
.Ltmp2:
0x2f: {  	[bflag:$0x0] =	sbarrier.arrive $0xFFFF;
	(pc) =	sbr.rel @p1 .LBB2_1-.Ltmp2, $4  }
0x30: {  	[hbm:s5], [sflag:s12] =	dma.local [spmem:s13], $0x50  }
0x31: {  	_ =	swait.ge [sflag:s8], $0x50  }
0x32: {  	[sflag:s8] =	ssyncset.done $0x0  }
0x33: {  	[sflag:s8] =	ssyncadd.s32 $0xFFFFFFB0  }
0x34: {  	_ =	sfence.sel $0x180000  }
0x35: {  	[bflag:$0x0] =	sbarrier.arrive $0xFFFF  }
0x36: {  	_ =	strace $0x90000047  }
0x37: {  	s0 =	sadd.s32 @!p0 $0x100000, s0;
	[bflag:$0x2] =	sbarrier.arrive $0xFFFF  }
0x38: {  	[sflag:s0] =	ssyncadd.tile.s32 @!p0 $0x1;
	_ =	shalt  }
.Lfunc_end2:
_tile_overlayer_lowered:
.L_overlay_start_2:
0x39: {  	(tag) =	ssettag $0x2  }
0x3a: {  	s0 =	rddreg [dreg:$0x0];
	s2 =	stileid.u32  }
0x3b: {  	s1 =	rddreg [dreg:$0x1];
	p0 =	sne.s32 s2, $0x0  }
0x3c: {  	s3 =	rddreg [dreg:$0x2];
	[bflag:$0x3] =	sbarrier.arrive $0xFFFF;
	s2 =	simm.s32 @!p0 $0x1C02  }
0x3d: {  	[timem:s3], [sflag:s2] =	dma.local @!p0 [hbm:s0], s1  }
0x3e: {  	s0 =	simm.s32 @!p0 $0x2  }
0x3f: {  	_ =	swait.ge @!p0 [sflag:s0], s1  }
0x40: {  	s1 =	ssub.s32 @!p0 $0x0, s1;
	[sflag:s0] =	ssyncset.done @!p0 $0x0  }
0x41: {  	[sflag:s0] =	ssyncadd.s32 @!p0 s1  }
0x42: {  	[bflag:$0x3] =	sbarrier.arrive $0xFFFF  }
0x43: {  	_ =	shalt  }

// kernel: kernel.9.cloned.1.call-start
scs
__scs_entry_jumppad:
0x0: {  	(pc) =	sbr.rel $0x88, $3  }
0x1: {  	(tag) =	ssettag $0x0;
	lr =	simm.s32 $0x1  }
0x2: {  	[smem:$0x3F9C] =	sst lr;
	_ =	strace $0xD0000000  }
0x3: {  	_ = 	snop  }
0x4: {  	_ = 	snop  }
0x5: {  	_ = 	snop  }
0x6: {  	_ = 	snop  }
0x7: {  	_ = 	snop  }
__scs_overlays_trampoline_lowered:
0x8: {  	[smem:$0x3FAB] =	sst s0  }
0x9: {  	[smem:$0x3FAC] =	sst s1  }
0xa: {  	[smem:$0x3FAD] =	sst s2  }
0xb: {  	[smem:$0x3FAE] =	sst s3  }
0xc: {  	[smem:$0x3FAF] =	sst s4  }
0xd: {  	[smem:$0x3FB0] =	sst s5  }
0xe: {  	[smem:$0x3FB1] =	sst s6  }
0xf: {  	[smem:$0x3FB2] =	sst s7  }
0x10: {  	[smem:$0x3FB3] =	sst s8  }
0x11: {  	[smem:$0x3FB4] =	sst s9;
	s0 =	simm.s32 @!p0 $0x0  }
0x12: {  	s1 =	sld [smem:$0x3F9A];
	s0 =	simm.s32 @p0 $0x1  }
0x13: {  	[smem:$0x3FB5] =	sst s0;
	s0 =	simm.s32 @!p1 $0x0  }
0x14: {  	s2 =	sld [smem:$0x3F99];
	s0 =	simm.s32 @p1 $0x1  }
0x15: {  	[smem:$0x3FB6] =	sst s0;
	s0 =	simm.s32 @!p2 $0x0  }
0x16: {  	s3 =	sld [smem:$0x3FDB];
	s0 =	simm.s32 @p2 $0x1  }
0x17: {  	s4 =	simm.s32 $0x1BF5;
	[smem:$0x3FB8] =	sst s0  }
0x18: {  	s0 =	sld [smem:$0x3F9B];
	_ =	swait.ge [sflag:s4], $0x0  }
0x19: {  	s7 =	sld [smem:$0x3F9C]  }
0x1a: {  	s8 =	sadd.s32 $0xFFFFE003, lr  }
0x1b: {  	s9 =	sadd.s32 $0xFFFFFEF7, lr;
	s5 =	simm.s32 $0xFFFFFFFF;
	p2 =	slt.u32 s8, $0xFFFFF086  }
0x1c: {  	p1 =	slt.u32 s9, $0xF7A;
	s5 =	simm.s32 @!p2 $0x0  }
0x1d: {  	s5 =	simm.s32 @p1 $0x1;
	p0 =	seq.s32 s7, s2  }
0x1e: {  	s7 =	smul.u32 @!p0 $0xF7A, s2;
	p2 =	seq.s32 @!p0 s5, $0x0  }
0x1f: {  	s9 =	smul.u32 $0xF7A, s1;
	s8 =	simm.s32 @!p0 $0x1BF5;
	p2 =	por !p2, p0  }
0x20: {  	[sflag:s8] =	ssyncset.s32 @!p0 $0xFFFFF086;
	s6 =	sadd.s32 @!p0 s3, s7;
	s7 =	simm.s32 @!p0 $0x108  }
0x21: {  	s3 =	sadd.s32 s3, s9;
	s6 =	sadd.s32 @!p0 $0x88, s6;
	s7 =	simm.s32 @p2 $0x1082  }
0x22: {  	[simem:s7], [sflag:s8] =	dma.local @!p0 [hbm:s6], $0xF7A  }
0x23: {  	s9 =	sor.u32 $0xD0000000, s2;
	s6 =	simm.s32 $0x108;
	_ =	swait.ge @!p0 [sflag:s8], $0x0  }
0x24: {  	s3 =	sadd.s32 $0x88, s3;
	s6 =	simm.s32 @!p1 $0x1082;
	[sflag:s4] =	ssyncset.s32 $0xFFFFF086  }
0x25: {  	[simem:s6], [sflag:s4] =	dma.local [hbm:s3], $0xF7A  }
0x26: {  	[smem:$0x3F9C] =	sst s1;
	(tag) =	ssettag s2;
	_ =	strace s9  }
0x27: {  	s1 =	sld [smem:$0x3FAC]  }
0x28: {  	s2 =	sld [smem:$0x3FAD]  }
0x29: {  	s4 =	sld [smem:$0x3FAF]  }
0x2a: {  	p0 =	seq.s32 s5, $0x0;
	s5 =	sld [smem:$0x3FB0]  }
0x2b: {  	s6 =	sld [smem:$0x3FB1]  }
0x2c: {  	s7 =	sld [smem:$0x3FB2]  }
0x2d: {  	s3 =	simm.s32 $0x108;
	s8 =	sld [smem:$0x3FB3]  }
0x2e: {  	s3 =	simm.s32 @!p0 $0x1082;
	s9 =	sld [smem:$0x3FB4]  }
0x2f: {  	lr =	sadd.s32 s0, s3;
	s0 =	sld [smem:$0x3FAB]  }
0x30: {  	s3 =	sld [smem:$0x3FAE]  }
0x31: {  	[smem:$0x3FB7] =	sst s10  }
0x32: {  	s10 =	sld [smem:$0x3FB5];
	_ =	sdelay $0x3  }
0x33: {  	p0 =	seq.s32 s10, $0x1;
	s10 =	sld [smem:$0x3FB7];
	_ =	sdelay $0x3  }
0x34: {  	[smem:$0x3FB7] =	sst s10  }
0x35: {  	s10 =	sld [smem:$0x3FB6];
	_ =	sdelay $0x3  }
0x36: {  	p1 =	seq.s32 s10, $0x1;
	s10 =	sld [smem:$0x3FB7];
	_ =	sdelay $0x3  }
0x37: {  	[smem:$0x3FB7] =	sst s10  }
0x38: {  	s10 =	sld [smem:$0x3FB8]  }
0x39: {  	_ = 	snop;
	(pc) =	sbr.ind lr, $3  }
0x3a: {  	_ = 	snop  }
0x3b: {  	_ = 	snop  }
0x3c: {  	p2 =	seq.s32 s10, $0x1;
	s10 =	sld [smem:$0x3FB7]  }
0x3d: {  	_ =	shalt  }
0x3e: {  	_ =	shalt  }
0x3f: {  	_ =	shalt  }
0x40: {  	_ =	shalt  }
0x41: {  	_ =	shalt  }
0x42: {  	_ =	shalt  }
0x43: {  	_ =	shalt  }
0x44: {  	_ =	shalt  }
0x45: {  	_ =	shalt  }
0x46: {  	_ =	shalt  }
0x47: {  	_ =	shalt  }
0x48: {  	_ =	shalt  }
0x49: {  	_ =	shalt  }
0x4a: {  	_ =	shalt  }
0x4b: {  	_ =	shalt  }
0x4c: {  	_ =	shalt  }
0x4d: {  	_ =	shalt  }
0x4e: {  	_ =	shalt  }
0x4f: {  	_ =	shalt  }
0x50: {  	_ =	shalt  }
0x51: {  	_ =	shalt  }
0x52: {  	_ =	shalt  }
0x53: {  	_ =	shalt  }
0x54: {  	_ =	shalt  }
0x55: {  	_ =	shalt  }
0x56: {  	_ =	shalt  }
0x57: {  	_ =	shalt  }
0x58: {  	_ =	shalt  }
0x59: {  	_ =	shalt  }
0x5a: {  	_ =	shalt  }
0x5b: {  	_ =	shalt  }
0x5c: {  	_ =	shalt  }
0x5d: {  	_ =	shalt  }
0x5e: {  	_ =	shalt  }
0x5f: {  	_ =	shalt  }
0x60: {  	_ =	shalt  }
0x61: {  	_ =	shalt  }
0x62: {  	_ =	shalt  }
0x63: {  	_ =	shalt  }
0x64: {  	_ =	shalt  }
0x65: {  	_ =	shalt  }
0x66: {  	_ =	shalt  }
0x67: {  	_ =	shalt  }
0x68: {  	_ =	shalt  }
0x69: {  	_ =	shalt  }
0x6a: {  	_ =	shalt  }
0x6b: {  	_ =	shalt  }
0x6c: {  	_ =	shalt  }
0x6d: {  	_ =	shalt  }
0x6e: {  	_ =	shalt  }
0x6f: {  	_ =	shalt  }
0x70: {  	_ =	shalt  }
0x71: {  	_ =	shalt  }
0x72: {  	_ =	shalt  }
0x73: {  	_ =	shalt  }
0x74: {  	_ =	shalt  }
0x75: {  	_ =	shalt  }
0x76: {  	_ =	shalt  }
0x77: {  	_ =	shalt  }
0x78: {  	_ =	shalt  }
0x79: {  	_ =	shalt  }
0x7a: {  	_ =	shalt  }
0x7b: {  	_ =	shalt  }
0x7c: {  	_ =	shalt  }
0x7d: {  	_ =	shalt  }
0x7e: {  	_ =	shalt  }
0x7f: {  	_ =	shalt  }
0x80: {  	_ =	shalt  }
0x81: {  	_ =	shalt  }
0x82: {  	_ =	shalt  }
0x83: {  	_ =	shalt  }
0x84: {  	_ =	shalt  }
0x85: {  	_ =	shalt  }
0x86: {  	_ =	shalt  }
0x87: {  	_ =	shalt  }
.Lfunc_end0:
.L_simem_size_0:
called_computation.1_lowered:
.L_overlay_start_0:
0x88: {  	s2 =	sld [smem:$0x3FD9]  }
0x89: {  	s3 =	sld [smem:$0x3FFE];
	_ =	sdelay $0x1  }
0x8a: {  	s1 =	srdreg.scid  }
0x8b: {  	s0 =	sand.u32 $0x1, s1  }
0x8c: {  	s17 =	sshll.u32 s0, $0xA;
	s2 =	sadd.s32 s3, s2  }
0x8d: {  	s2 =	sadd.s32 s2, s17  }
0x8e: {  	[smem:$0x3FC3] =	sst s2  }
0x8f: {  	_ = 	snop  }
0x90: {  	s2 =	sld [smem:$0x3FD0];
	(tm) =	ssettm $0x1  }
0x91: {  	s18 =	sld [smem:$0x3FFB];
	_ =	sdelay $0x3  }
0x92: {  	_ =	strace s18  }
0x93: {  	s3 =	sld [smem:$0x3FFC];
	_ =	sdelay $0x3  }
0x94: {  	_ =	strace s3  }
0x95: {  	s3 =	sld [smem:$0x3FFD];
	_ =	sdelay $0x3  }
0x96: {  	_ =	strace s3  }
0x97: {  	_ =	strace $0x8FFFFFFF  }
0x98: {  	s19 =	sld [smem:$0x3FDB];
	_ =	sdelay $0x1  }
0x99: {  	s4 =	simm.s32 $_scs_section_size  }
0x9a: {  	s5 =	simm.s32 $_size__tile_overlayer_lowered;
	s6 =	simm.s32 $_tile_overlayer_lowered  }
0x9b: {  	s22 =	simm.s32 $0x1BFF;
	s21 =	sshll.u32 s6, $0x1;
	s3 =	sadd.s32 s4, s19  }
0x9c: {  	s7 =	simm.s32 $0x0;
	s20 =	sshll.u32 s5, $0x1;
	s5 =	sadd.s32 s21, s3  }
0x9d: {  	[timem:s7], [sflag:s22] =	dma.local [hbm:s5], s20  }
0x9e: {  	_ =	swait.ge [sflag:s22], s20  }
0x9f: {  	s4 =	ssub.s32 $0x0, s20;
	[sflag:s22] =	ssyncset.done $0x0  }
0xa0: {  	[sflag:s22] =	ssyncadd.s32 s4;
	_ =	sdelay $0x1  }
0xa1: {  	s23 =	simm.s32 $0x1B8B  }
0xa2: {  	_ =	swait.ge [sflag:s23], $0x1  }
0xa3: {  	[sflag:s23] =	ssyncset.done $0x0  }
0xa4: {  	s25 =	simm.s32 $0x1B8E;
	s24 =	sld [smem:$0x3FFE];
	[sflag:s23] =	ssyncadd.s32 $0xFFFFFFFF  }
0xa5: {  	s26 =	simm.s32 $execute0_lowered;
	[smem:$0x3FD2] =	sst s25  }
0xa6: {  	s5 =	sshll.u32 s26, $0x1;
	_ =	strace $0x80000049;
	[dreg:$0x1] =	wrdreg $0xFFFFFFFF  }
0xa7: {  	s28 =	simm.s32 $_size_execute0_lowered;
	s3 =	sadd.s32 s3, s5;
	[dreg:$0x0] =	wrdreg $0x0  }
0xa8: {  	s5 =	sshll.u32 s28, $0x1;
	[dreg:$0x2] =	wrdreg s3  }
0xa9: {  	[dreg:$0x3] =	wrdreg s5  }
0xaa: {  	[dreg:$0x4] =	wrdreg $0xC0  }
0xab: {  	_ =	task [dreg:s7], $0x5FFFF  }
0xac: {  	[dreg:$0x1] =	wrdreg $0xFFFFFFFF  }
0xad: {  	[dreg:$0x0] =	wrdreg $0x60  }
0xae: {  	[dreg:$0x2] =	wrdreg s2  }
0xaf: {  	[dreg:$0x3] =	wrdreg s24  }
0xb0: {  	[dreg:$0x4] =	wrdreg $0xA8000  }
0xb1: {  	[dreg:$0x5] =	wrdreg $0x9  }
0xb2: {  	_ =	task.clear_ibuf [dreg:s7], $0x6FFFF;
	_ =	strace $0x90000049  }
0xb3: {  	s29 =	simm.s32 $0x9;
	_ =	strace $0x8000004B  }
0xb4: {  	_ =	swait.ge [sflag:s29], $0x1  }
0xb5: {  	[sflag:s29] =	ssyncadd.s32 $0xFFFFFFFF  }
0xb6: {  	_ =	strace $0x9000004B  }
0xb7: {  	_ =	sfence  }
0xb8: {  	s30 =	sld [smem:$0x0];
	_ =	sdelay $0x2  }
0xb9: {  	s31 =	sshll.u32 s1, $0xD;
	s1 =	sshrl.u32 s1, $0x2  }
0xba: {  	s3 =	sand.u32 $0x4000, s31;
	s1 =	sadd.s32 s1, s30  }
0xbb: {  	s0 =	sor.u32 s3, s0;
	s1 =	sshll.u32 s1, $0x11  }
0xbc: {  	s0 =	sor.u32 s1, s0  }
0xbd: {  	s0 =	sadd.s32 $0x8F2B, s0  }
0xbe: {  	[sflag:s0] =	ssyncadd.remote.s32 $0x1  }
0xbf: {  	_ =	sfence.sel $0xFFFF  }
0xc0: {  	[dreg:$0x0] =	wrdreg $0xFFFFFFFF;
	(pc) =	sbr.abs _section_cstart, $3  }
0xc1: {  	[dreg:$0x1] =	wrdreg $0xFFFFFFFF  }
0xc2: {  	_ =	task.clear_ibuf [dreg:s7], $0x2FFFF;
	_ =	strace $0x9FFFFFFF  }
0xc3: {  	(tm) =	ssettm $0x7FFFFFFF  }
tec
execute0_lowered:
.L_overlay_start_1:
0x0: {  	(tag) =	ssettag $0x1  }
0x1: {  	s1 =	rddreg [dreg:$0x0]  }
0x2: {  	s6 =	rddreg [dreg:$0x1]  }
0x3: {  	s3 =	rddreg [dreg:$0x2]  }
0x4: {  	s0 =	rddreg [dreg:$0x3];
	s4 =	simm.s32 $0x0;
	s5 =	srdreg.scid  }
0x5: {  	s2 =	stileid.u32;
	s16 =	simm.s32 $0x80;
	s17 =	simm.s32 $0x2800  }
0x6: {  	s18 =	simm.s32 $0x6800;
	s19 =	simm.s32 $0x1;
	s20 =	simm.s32 $0x2  }
0x7: {  	s21 =	simm.s32 $0x2700;
	s22 =	simm.s32 $0x2780;
	[smem:$0x7FF] =	sst s4  }
0x8: {  	s7 =	sand.u32 $0x1, s5;
	s8 =	smul.u32 $0x2800, s2;
	s10 =	sadd.s32 $0xBE00, s6  }
0x9: {  	s11 =	sadd.s32 $0x1E00, s6;
	s5 =	sadd.s32 $0x15E00, s6;
	s12 =	sshll.u32 s2, $0x1  }
0xa: {  	s24 =	smul.u32 $0x50000, s2;
	s28 =	sshll.u32 s2, $0x6;
	_ =	strace $0x8000004A  }
0xb: {  	s9 =	smul.u32 $0x28000, s7;
	s23 =	ssub.s32 $0x2, s7;
	s7 =	sor.u32 s7, s12  }
0xc: {  	s13 =	sshrl.u32 s23, $0x1;
	s25 =	smul.u32 $0x2800, s7;
	s26 =	sshrl.u32 s24, $0x2  }
0xd: {  	s29 =	smul.u32 $0x500, s7;
	s8 =	sadd.s32 s8, s9;
	s13 =	ssub.s32 s23, s13  }
0xe: {  	s15 =	sadd.s32 s26, s3;
	s23 =	simm.s32 $0x0;
	s14 =	sadd.s32 s8, s6  }
0xf: {  	s6 =	sor.u32 $0x1C03, s28;
	s30 =	sshrl.u32 s25, $0x3;
	s7 =	sadd.s32 s10, s29  }
0x10: {  	s8 =	sadd.s32 s11, s29;
	s12 =	smax.u32 s13, $0x1;
	s31 =	sadd.s32 $0x280, s30  }
0x11: {  	s13 =	sshrl.u32 s15, $0x3;
	s15 =	simm.s32 $0x1400;
	s9 =	sadd.s32 s10, s31  }
0x12: {  	s10 =	sadd.s32 s11, s31;
	s11 =	sadd.s32 $0x18600, s14;
	s14 =	simm.s32 $0x3  }
.LBB2_1:
0x13: {  	[spmem:s13], [sflag:s6] =	dma.local [hbm:s5], $0x2800  }
0x14: {  	_ =	swait.ge [sflag:s14], $0x2800  }
0x15: {  	[sflag:s14] =	ssyncset.done $0x0  }
0x16: {  	[sflag:s14] =	ssyncadd.s32 $0xFFFFD800  }
0x17: {  	[bflag:$0x0] =	sbarrier.arrive $0xFFFF  }
0x18: {  	[tilespmem:s4], [sflag:$0x3] =	stream.linear.gather [hbm4b:s7+s4], $0x1400, $0x38;
	[tilespmem:$0x1E800] =	vst v63  }
0x19: {  	_ =	swait.ge [sflag:s14], $0x1400  }
0x1a: {  	[sflag:s14] =	ssyncset.done $0x0  }
0x1b: {  	[sflag:s14] =	ssyncadd.s32 $0xFFFFEC00  }
0x1c: {  	[tilespmem:s15], [sflag:$0x3] =	stream.linear.gather [hbm4b:s8+s4], $0x1400, $0x38;
	[tilespmem:$0x1E800] =	vst v63  }
0x1d: {  	_ =	swait.ge [sflag:s14], $0x1400  }
0x1e: {  	[sflag:s14] =	ssyncset.done $0x0  }
0x1f: {  	[sflag:s14] =	ssyncadd.s32 $0xFFFFEC00  }
0x20: {  	[tilespmem:s17], [sflag:$0x1] =	stream.indirect.gather [hbm4b:s1+s16], $0x80, s4, s16, $0xb8;
	[tilespmem:$0x1E800] =	vst v63  }
0x21: {  	_ = 	snop  }
0x22: {  	[tilespmem:s18], [sflag:$0x2] =	stream.indirect.gather [hbm4b:s1+s16], $0x80, s16, s16, $0xb8;
	[tilespmem:$0x1E800] =	vst v63  }
0x23: {  	_ =	swait.ge [sflag:s19], $0x4000  }
0x24: {  	[sflag:s19] =	ssyncset.done $0x0  }
0x25: {  	s24 =	simm.s32 $0x1400;
	[sflag:s19] =	ssyncadd.s32 $0xFFFFC000  }
0x26: {  	[spmem:s3] =	stream.indirect.scatter.add.f32 [tilespmem:s17], [sflag:$0x3], $0x80, s24, s16, $0xb8;
	[tilespmem:$0x1E800] =	vst v63  }
0x27: {  	_ =	swait.ge [sflag:s14], $0x4000  }
0x28: {  	[sflag:s14] =	ssyncset.done $0x0  }
0x29: {  	s30 =	simm.s32 $0x100;
	[sflag:s14] =	ssyncadd.s32 $0xFFFFC000  }
0x2a: {  	[tilespmem:s17], [sflag:$0x1] =	stream.indirect.gather [hbm4b:s1+s16], $0x80, s30, s16, $0xb8;
	[tilespmem:$0x1E800] =	vst v63  }
0x2b: {  	_ =	swait.ge [sflag:s20], $0x4000  }
0x2c: {  	[sflag:s20] =	ssyncset.done $0x0  }
0x2d: {  	s31 =	simm.s32 $0x1480;
	[sflag:s20] =	ssyncadd.s32 $0xFFFFC000  }
0x2e: {  	[spmem:s3] =	stream.indirect.scatter.add.f32 [tilespmem:s18], [sflag:$0x3], $0x80, s31, s16, $0xb8;
	[tilespmem:$0x1E800] =	vst v63  }
0x2f: {  	_ =	swait.ge [sflag:s14], $0x4000  }
0x30: {  	[sflag:s14] =	ssyncset.done $0x0  }
0x31: {  	s25 =	simm.s32 $0x180;
	s24 =	simm.s32 $0x400;
	[sflag:s14] =	ssyncadd.s32 $0xFFFFC000  }
.LBB2_2:
0x32: {  	[tilespmem:s18], [sflag:$0x2] =	stream.indirect.gather [hbm4b:s1+s16], $0x80, s25, s16, $0xb8;
	[tilespmem:$0x1E800] =	vst v63  }
0x33: {  	s25 =	smov.u32 s24  }
0x34: {  	p0 =	sne.s32 s24, $0x4800;
	s24 =	sadd.s32 $0x400, s24;
	_ =	swait.ge [sflag:s19], $0x4000  }
0x35: {  	s25 =	sshra.s32 s25, $0x2;
	[sflag:s19] =	ssyncset.done $0x0  }
0x36: {  	s26 =	sadd.s32 $0x1400, s25;
	[sflag:s19] =	ssyncadd.s32 $0xFFFFC000  }
0x37: {  	[spmem:s3] =	stream.indirect.scatter.add.f32 [tilespmem:s17], [sflag:$0x3], $0x80, s26, s16, $0xb8;
	[tilespmem:$0x1E800] =	vst v63  }
0x38: {  	_ =	swait.ge [sflag:s14], $0x4000  }
0x39: {  	[sflag:s14] =	ssyncset.done $0x0  }
0x3a: {  	s26 =	sadd.s32 $0x100, s25;
	[sflag:s14] =	ssyncadd.s32 $0xFFFFC000  }
0x3b: {  	[tilespmem:s17], [sflag:$0x1] =	stream.indirect.gather [hbm4b:s1+s16], $0x80, s26, s16, $0xb8;
	[tilespmem:$0x1E800] =	vst v63  }
0x3c: {  	_ =	swait.ge [sflag:s20], $0x4000  }
0x3d: {  	[sflag:s20] =	ssyncset.done $0x0  }
.Ltmp0:
0x3e: {  	s26 =	sadd.s32 $0x1480, s25;
	[sflag:s20] =	ssyncadd.s32 $0xFFFFC000;
	(pc) =	sbr.rel @p0 .LBB2_2-.Ltmp0, $4  }
0x3f: {  	[spmem:s3] =	stream.indirect.scatter.add.f32 [tilespmem:s18], [sflag:$0x3], $0x80, s26, s16, $0xb8;
	[tilespmem:$0x1E800] =	vst v63  }
0x40: {  	_ =	swait.ge [sflag:s14], $0x4000  }
0x41: {  	[sflag:s14] =	ssyncset.done $0x0  }
0x42: {  	s25 =	sadd.s32 $0x180, s25;
	[sflag:s14] =	ssyncadd.s32 $0xFFFFC000  }
0x43: {  	[tilespmem:s18], [sflag:$0x2] =	stream.indirect.gather [hbm4b:s1+s16], $0x80, s25, s16, $0xb8;
	[tilespmem:$0x1E800] =	vst v63  }
0x44: {  	_ =	swait.ge [sflag:s19], $0x4000  }
0x45: {  	[sflag:s19] =	ssyncset.done $0x0  }
0x46: {  	[sflag:s19] =	ssyncadd.s32 $0xFFFFC000  }
0x47: {  	[spmem:s3] =	stream.indirect.scatter.add.f32 [tilespmem:s17], [sflag:$0x3], $0x80, s21, s16, $0xb8;
	[tilespmem:$0x1E800] =	vst v63  }
0x48: {  	_ =	swait.ge [sflag:s14], $0x4000  }
0x49: {  	[sflag:s14] =	ssyncset.done $0x0  }
0x4a: {  	[sflag:s14] =	ssyncadd.s32 $0xFFFFC000  }
0x4b: {  	_ =	swait.ge [sflag:s20], $0x4000  }
0x4c: {  	[sflag:s20] =	ssyncset.done $0x0  }
0x4d: {  	[sflag:s20] =	ssyncadd.s32 $0xFFFFC000  }
0x4e: {  	[spmem:s3] =	stream.indirect.scatter.add.f32 [tilespmem:s18], [sflag:$0x3], $0x80, s22, s16, $0xb8;
	[tilespmem:$0x1E800] =	vst v63  }
0x4f: {  	_ =	swait.ge [sflag:s14], $0x4000  }
0x50: {  	[sflag:s14] =	ssyncset.done $0x0  }
0x51: {  	s24 =	simm.s32 $0x0;
	[sflag:s14] =	ssyncadd.s32 $0xFFFFC000  }
0x52: {  	[tilespmem:s24], [sflag:$0x3] =	stream.linear.gather [hbm4b:s9+s24], $0x1400, $0x38;
	[tilespmem:$0x1E800] =	vst v63  }
0x53: {  	_ =	swait.ge [sflag:s14], $0x1400  }
0x54: {  	[sflag:s14] =	ssyncset.done $0x0  }
0x55: {  	[sflag:s14] =	ssyncadd.s32 $0xFFFFEC00  }
0x56: {  	[tilespmem:s15], [sflag:$0x3] =	stream.linear.gather [hbm4b:s10+s24], $0x1400, $0x38;
	[tilespmem:$0x1E800] =	vst v63  }
0x57: {  	_ =	swait.ge [sflag:s14], $0x1400  }
0x58: {  	[sflag:s14] =	ssyncset.done $0x0  }
0x59: {  	[sflag:s14] =	ssyncadd.s32 $0xFFFFEC00  }
0x5a: {  	[tilespmem:s17], [sflag:$0x1] =	stream.indirect.gather [hbm4b:s1+s16], $0x80, s24, s16, $0xb8;
	[tilespmem:$0x1E800] =	vst v63  }
0x5b: {  	_ = 	snop  }
0x5c: {  	[tilespmem:s18], [sflag:$0x2] =	stream.indirect.gather [hbm4b:s1+s16], $0x80, s16, s16, $0xb8;
	[tilespmem:$0x1E800] =	vst v63  }
0x5d: {  	_ =	swait.ge [sflag:s19], $0x4000  }
0x5e: {  	[sflag:s19] =	ssyncset.done $0x0  }
0x5f: {  	s29 =	simm.s32 $0x1400;
	[sflag:s19] =	ssyncadd.s32 $0xFFFFC000  }
0x60: {  	[spmem:s3] =	stream.indirect.scatter.add.f32 [tilespmem:s17], [sflag:$0x3], $0x80, s29, s16, $0xb8;
	[tilespmem:$0x1E800] =	vst v63  }
0x61: {  	_ =	swait.ge [sflag:s14], $0x4000  }
0x62: {  	[sflag:s14] =	ssyncset.done $0x0  }
0x63: {  	s30 =	simm.s32 $0x100;
	[sflag:s14] =	ssyncadd.s32 $0xFFFFC000  }
0x64: {  	[tilespmem:s17], [sflag:$0x1] =	stream.indirect.gather [hbm4b:s1+s16], $0x80, s30, s16, $0xb8;
	[tilespmem:$0x1E800] =	vst v63  }
0x65: {  	_ =	swait.ge [sflag:s20], $0x4000  }
0x66: {  	[sflag:s20] =	ssyncset.done $0x0  }
0x67: {  	s31 =	simm.s32 $0x1480;
	[sflag:s20] =	ssyncadd.s32 $0xFFFFC000  }
0x68: {  	[spmem:s3] =	stream.indirect.scatter.add.f32 [tilespmem:s18], [sflag:$0x3], $0x80, s31, s16, $0xb8;
	[tilespmem:$0x1E800] =	vst v63  }
0x69: {  	_ =	swait.ge [sflag:s14], $0x4000  }
0x6a: {  	[sflag:s14] =	ssyncset.done $0x0  }
0x6b: {  	s25 =	simm.s32 $0x180;
	s24 =	simm.s32 $0x400;
	[sflag:s14] =	ssyncadd.s32 $0xFFFFC000  }
.LBB2_4:
0x6c: {  	[tilespmem:s18], [sflag:$0x2] =	stream.indirect.gather [hbm4b:s1+s16], $0x80, s25, s16, $0xb8;
	[tilespmem:$0x1E800] =	vst v63  }
0x6d: {  	s25 =	smov.u32 s24  }
0x6e: {  	p0 =	sne.s32 s24, $0x4800;
	s24 =	sadd.s32 $0x400, s24;
	_ =	swait.ge [sflag:s19], $0x4000  }
0x6f: {  	s25 =	sshra.s32 s25, $0x2;
	[sflag:s19] =	ssyncset.done $0x0  }
0x70: {  	s26 =	sadd.s32 $0x1400, s25;
	[sflag:s19] =	ssyncadd.s32 $0xFFFFC000  }
0x71: {  	[spmem:s3] =	stream.indirect.scatter.add.f32 [tilespmem:s17], [sflag:$0x3], $0x80, s26, s16, $0xb8;
	[tilespmem:$0x1E800] =	vst v63  }
0x72: {  	_ =	swait.ge [sflag:s14], $0x4000  }
0x73: {  	[sflag:s14] =	ssyncset.done $0x0  }
0x74: {  	s26 =	sadd.s32 $0x100, s25;
	[sflag:s14] =	ssyncadd.s32 $0xFFFFC000  }
0x75: {  	[tilespmem:s17], [sflag:$0x1] =	stream.indirect.gather [hbm4b:s1+s16], $0x80, s26, s16, $0xb8;
	[tilespmem:$0x1E800] =	vst v63  }
0x76: {  	_ =	swait.ge [sflag:s20], $0x4000  }
0x77: {  	[sflag:s20] =	ssyncset.done $0x0  }
.Ltmp1:
0x78: {  	s26 =	sadd.s32 $0x1480, s25;
	[sflag:s20] =	ssyncadd.s32 $0xFFFFC000;
	(pc) =	sbr.rel @p0 .LBB2_4-.Ltmp1, $4  }
0x79: {  	[spmem:s3] =	stream.indirect.scatter.add.f32 [tilespmem:s18], [sflag:$0x3], $0x80, s26, s16, $0xb8;
	[tilespmem:$0x1E800] =	vst v63  }
0x7a: {  	_ =	swait.ge [sflag:s14], $0x4000  }
0x7b: {  	[sflag:s14] =	ssyncset.done $0x0  }
0x7c: {  	s25 =	sadd.s32 $0x180, s25;
	[sflag:s14] =	ssyncadd.s32 $0xFFFFC000  }
0x7d: {  	[tilespmem:s18], [sflag:$0x2] =	stream.indirect.gather [hbm4b:s1+s16], $0x80, s25, s16, $0xb8;
	[tilespmem:$0x1E800] =	vst v63  }
0x7e: {  	_ =	swait.ge [sflag:s19], $0x4000  }
0x7f: {  	[sflag:s19] =	ssyncset.done $0x0  }
0x80: {  	[sflag:s19] =	ssyncadd.s32 $0xFFFFC000  }
0x81: {  	[spmem:s3] =	stream.indirect.scatter.add.f32 [tilespmem:s17], [sflag:$0x3], $0x80, s21, s16, $0xb8;
	[tilespmem:$0x1E800] =	vst v63  }
0x82: {  	_ =	swait.ge [sflag:s14], $0x4000  }
0x83: {  	[sflag:s14] =	ssyncset.done $0x0  }
0x84: {  	[sflag:s14] =	ssyncadd.s32 $0xFFFFC000  }
0x85: {  	_ =	swait.ge [sflag:s20], $0x4000  }
0x86: {  	[sflag:s20] =	ssyncset.done $0x0  }
0x87: {  	[sflag:s20] =	ssyncadd.s32 $0xFFFFC000  }
0x88: {  	[spmem:s3] =	stream.indirect.scatter.add.f32 [tilespmem:s18], [sflag:$0x3], $0x80, s22, s16, $0xb8;
	[tilespmem:$0x1E800] =	vst v63  }
0x89: {  	_ =	swait.ge [sflag:s14], $0x4000  }
0x8a: {  	s23 =	sadd.s32 $0x1, s23;
	[sflag:s14] =	ssyncset.done $0x0  }
0x8b: {  	p0 =	sne.s32 s23, s12;
	[sflag:s14] =	ssyncadd.s32 $0xFFFFC000  }
.Ltmp2:
0x8c: {  	[bflag:$0x0] =	sbarrier.arrive $0xFFFF;
	(pc) =	sbr.rel @p0 .LBB2_1-.Ltmp2, $4  }
0x8d: {  	[hbm:s11], [sflag:s6] =	dma.local [spmem:s13], $0x2800  }
0x8e: {  	_ =	swait.ge [sflag:s14], $0x2800  }
0x8f: {  	[sflag:s14] =	ssyncset.done $0x0  }
0x90: {  	[sflag:s14] =	ssyncadd.s32 $0xFFFFD800  }
0x91: {  	_ =	sfence.sel $0x180000  }
0x92: {  	[bflag:$0x0] =	sbarrier.arrive $0xFFFF  }
0x93: {  	p0 =	sne.s32 s2, $0x0;
	_ =	strace $0x9000004A  }
0x94: {  	s0 =	sadd.s32 @!p0 $0x100000, s0;
	[bflag:$0x2] =	sbarrier.arrive $0xFFFF  }
0x95: {  	[sflag:s0] =	ssyncadd.tile.s32 @!p0 $0x1;
	_ =	shalt  }
.Lfunc_end2:
_tile_overlayer_lowered:
.L_overlay_start_2:
0x96: {  	(tag) =	ssettag $0x2  }
0x97: {  	s0 =	rddreg [dreg:$0x0];
	s2 =	stileid.u32  }
0x98: {  	s1 =	rddreg [dreg:$0x1];
	p0 =	sne.s32 s2, $0x0  }
0x99: {  	s3 =	rddreg [dreg:$0x2];
	[bflag:$0x3] =	sbarrier.arrive $0xFFFF;
	s2 =	simm.s32 @!p0 $0x1C03  }
0x9a: {  	[timem:s3], [sflag:s2] =	dma.local @!p0 [hbm:s0], s1  }
0x9b: {  	s0 =	simm.s32 @!p0 $0x3  }
0x9c: {  	_ =	swait.ge @!p0 [sflag:s0], s1  }
0x9d: {  	s1 =	ssub.s32 @!p0 $0x0, s1;
	[sflag:s0] =	ssyncset.done @!p0 $0x0  }
0x9e: {  	[sflag:s0] =	ssyncadd.s32 @!p0 s1  }
0x9f: {  	[bflag:$0x3] =	sbarrier.arrive $0xFFFF  }
0xa0: {  	_ =	shalt  }

</sc_bundles>
